<compile_context>
chip_gen: v7x
topology: tpu7x:2x2x1
jax: 0.10.2.dev20260603
libtpu: 0.0.44.dev20260713+nightly
codegen_flags: <defaults>
</compile_context>

<pallas_src>
import functools

import jax
import jax.numpy as jnp
from jax import lax
from jax.experimental import pallas as pl
from jax.experimental.pallas import tpu as pltpu
from jax.experimental.pallas import tpu_sc as plsc

BETA = 5.0
XY_WEIGHT = 0.5
B, M, DSLOT, C, K, D = 64, 256, 126, 100, 32, 128
CK = C * K
LOG2E = 1.4426950408889634
NB = 4
NG = 4



def _make_sc_body(G):
    TPG = 32 // G
    MJt = M // TPG

    def _topp_sc_body(p_hbm, m_hbm, out_hbm, pv, mv, csv, cnv):
        tile = lax.axis_index("c") * 16 + lax.axis_index("s")
        grp = tile // TPG
        j0 = (tile % TPG) * MJt
        pltpu.sync_copy(p_hbm.at[grp], pv)
        pltpu.sync_copy(m_hbm.at[grp], mv)
        zeros = jnp.zeros((16,), jnp.float32)

        def _smul(j, carry):
            pv[j] = pv[j] * mv[j]
            return carry
        lax.fori_loop(0, M, _smul, zeros)

        def _jbody(jj, carry):
            j = j0 + jj
            sj = pv[j]

            def _lbody(l, acc):
                cs, cn = acc
                sl = pv[l]
                lef = jnp.where(l <= j, 1.0, 0.0)
                m = jnp.where(sl > sj, 1.0, jnp.where(sl == sj, lef, 0.0))
                return (cs + m * sl, cn + m)

            cs, cn = lax.fori_loop(0, M, _lbody, (zeros, zeros), unroll=16)
            csv[jj] = cs
            cnv[jj] = cn
            return carry

        lax.fori_loop(0, MJt, _jbody, zeros)
        pltpu.sync_copy(csv, out_hbm.at[grp, pl.ds(j0, MJt)])
        pltpu.sync_copy(cnv, out_hbm.at[grp, pl.ds(M + j0, MJt)])

    return _topp_sc_body


def _topp_sc(pg, mg):
    f32 = jnp.float32
    G = pg.shape[0]
    MJt = M // (32 // G)
    fn = functools.partial(
        pl.kernel,
        mesh=plsc.VectorSubcoreMesh(core_axis_name="c", subcore_axis_name="s"),
        out_type=jax.ShapeDtypeStruct((G, 2 * M, 16), f32),
        scratch_types=[
            pltpu.VMEM((M, 16), f32),
            pltpu.VMEM((M, 16), f32),
            pltpu.VMEM((MJt, 16), f32),
            pltpu.VMEM((MJt, 16), f32),
        ],
    )(_make_sc_body(G))
    return fn(pg, mg)



def _prep_body(cf_ref, psif_ref, cft_out, cb_out, sel_out):
    cf = cf_ref[...]
    cft_out[...] = cf.T
    cft = cft_out[...]
    c2 = jnp.dot(jnp.ones((1, D), jnp.float32), cft * cft,
                 preferred_element_type=jnp.float32)
    seg = jax.lax.broadcasted_iota(jnp.int32, (CK, D), 0) // K
    cidx = jax.lax.broadcasted_iota(jnp.int32, (CK, D), 1)
    sel = (seg == cidx).astype(jnp.float32)
    sel_out[...] = sel
    psif = psif_ref[...]
    mg = jnp.max(psif)
    e = jnp.exp(psif - mg)
    seg_sum = jnp.dot(e, sel, preferred_element_type=jnp.float32)
    sums = jax.lax.dot_general(seg_sum, sel, (((1,), (1,)), ((), ())),
                               preferred_element_type=jnp.float32)
    lnw = psif - mg - jnp.log(sums)
    cb_out[...] = LOG2E * (lnw - BETA * c2)


def _mixer_kernel(tp_ref, ap_ref, s_ref, xy_ref, cr_ref, base_ref, cf_ref,
                  psif_ref, out_ref, cft_ref, cb_ref, sel_ref):
    @pl.when(pl.program_id(0) == 0)
    def _prep():
        _prep_body(cf_ref, psif_ref, cft_ref, cb_ref, sel_ref)

    MM = NB * M
    s_in = s_ref[...].reshape(MM, DSLOT)
    xy_in = xy_ref[...].reshape(MM, 2)
    sxy = jnp.concatenate([s_in, xy_in], axis=-1)
    xsq = sxy * sxy
    lane = jax.lax.broadcasted_iota(jnp.int32, (MM, D), 1)
    is_s = lane < DSLOT
    n1 = jnp.sqrt(jnp.sum(jnp.where(is_s, xsq, 0.0), axis=1, keepdims=True))
    n2 = jnp.sqrt(jnp.sum(jnp.where(is_s, 0.0, xsq), axis=1, keepdims=True))
    scale = jnp.where(is_s,
                      1.0 / jnp.maximum(n1, 1e-12),
                      XY_WEIGHT / jnp.maximum(n2, 1e-12))
    a = sxy * scale
    a2 = a * a

    cr = cr_ref[...].reshape(NB, 2 * M)
    cs = cr[:, :M]
    rk = cr[:, M:]
    tot = jnp.max(cs, axis=1, keepdims=True)
    thr = tp_ref[0, 0] * (tot + 1e-8)
    kcnt = jnp.sum(jnp.where(cs <= thr, 1.0, 0.0), axis=1, keepdims=True)
    kcnt = jnp.maximum(kcnt, 1.0)
    wm = jnp.where(rk <= kcnt, 1.0 / kcnt, 0.0)

    ones_row = jnp.ones((1, D), jnp.float32)
    s2_rows = [jax.lax.dot_general(ones_row, a2[i * M:(i + 1) * M, :],
                                   (((1,), (1,)), ((), ())),
                                   preferred_element_type=jnp.float32)
               for i in range(NB)]
    s2_row = jnp.concatenate(s2_rows, axis=0)
    wm = wm * jnp.exp2((-BETA * LOG2E) * s2_row)

    g = jnp.dot(a * (2.0 * BETA * LOG2E), cft_ref[...],
                preferred_element_type=jnp.float32)
    sim = jnp.exp2(g + cb_ref[...]).astype(jnp.bfloat16)
    wmb = wm.astype(jnp.bfloat16)
    ts = [jnp.dot(wmb[i:i + 1, :], sim[i * M:(i + 1) * M, :],
                  preferred_element_type=jnp.float32)
          for i in range(NB)]
    t = jnp.concatenate(ts, axis=0)
    scores = jnp.dot(t, sel_ref[...],
                     preferred_element_type=jnp.float32)
    alpha = jax.nn.sigmoid(ap_ref[0, 0])
    out_ref[...] = (alpha * base_ref[...]
                    + (1.0 - alpha) * scores[:, 0:C].reshape(NB, 1, C))


@jax.jit
def kernel(base_b, S_slots_b, XY_b, P_b, mask_b, centers, psi, alpha_param,
           top_p):
    f32 = jnp.float32
    pg = P_b.reshape(NG, 16, M).transpose(0, 2, 1)
    mg = mask_b.reshape(NG, 16, M).transpose(0, 2, 1)
    buf = _topp_sc(pg, mg)
    cr_rows = buf.transpose(0, 2, 1).reshape(B, 1, 2 * M)

    cf = centers.reshape(CK, D)
    psif = psi.reshape(1, CK)
    base3 = base_b.reshape(B, 1, C)
    tp = jnp.reshape(top_p.astype(f32), (1, 1))
    ap = jnp.reshape(alpha_param.astype(f32), (1, 1))

    grid = (B // NB,)
    fixed = lambda i: (0, 0)
    out = pl.pallas_call(
        _mixer_kernel,
        grid=grid,
        in_specs=[
            pl.BlockSpec((1, 1), fixed),
            pl.BlockSpec((1, 1), fixed),
            pl.BlockSpec((NB, M, DSLOT), lambda i: (i, 0, 0)),
            pl.BlockSpec((NB, M, 2), lambda i: (i, 0, 0)),
            pl.BlockSpec((NB, 1, 2 * M), lambda i: (i, 0, 0)),
            pl.BlockSpec((NB, 1, C), lambda i: (i, 0, 0)),
            pl.BlockSpec((CK, D), fixed),
            pl.BlockSpec((1, CK), fixed),
        ],
        out_specs=pl.BlockSpec((NB, 1, C), lambda i: (i, 0, 0)),
        out_shape=jax.ShapeDtypeStruct((B, 1, C), f32),
        scratch_shapes=[
            pltpu.VMEM((D, CK), f32),
            pltpu.VMEM((1, CK), f32),
            pltpu.VMEM((CK, D), f32),
        ],
    )(tp, ap, S_slots_b, XY_b, cr_rows, base3, cf, psif)
    return out.reshape(B, C)

# --- scband reference (transcript-rebuilt; emitter-appended) ---
"""Pipeline reference for scband-proto-mixer-82935818486345 (READ-ONLY COPY).

The authoritative reference and input builder live on the scoring server;
editing this copy changes nothing except your own understanding.
"""

import jax, jax.numpy as jnp
import numpy as np

BETA = 5.0
XY_WEIGHT = 0.5

def _normalize(x):
    n = jnp.linalg.norm(x, axis=-1, keepdims=True)
    return x / jnp.maximum(n, 1e-12)

def setup_inputs(seed: int = 0) -> dict:
    key = jax.random.key(seed)
    ks = jax.random.split(key, 8)
    B, M, Dslot, C, K, d = 64, 256, 126, 100, 32, 128
    return {
        'base_b': jax.random.normal(ks[0], (B, C), dtype=jnp.float32),
        'S_slots_b': jax.random.normal(ks[1], (B, M, Dslot), dtype=jnp.float32),
        'XY_b': jax.random.normal(ks[2], (B, M, 2), dtype=jnp.float32),
        'P_b': jax.random.uniform(ks[3], (B, M), dtype=jnp.float32),
        'mask_b': jnp.ones((B, M), dtype=jnp.float32),
        'centers': jax.random.normal(ks[4], (C, K, d), dtype=jnp.float32),
        'psi': jnp.zeros((C, K), dtype=jnp.float32),
        'alpha_param': jnp.zeros((), dtype=jnp.float32),  # sigmoid -> alpha=0.5
        'top_p': jnp.float32(0.9),
    }

def reference(base_b, S_slots_b, XY_b, P_b, mask_b, centers, psi, alpha_param, top_p):
    C, K, d = centers.shape
    M = P_b.shape[1]
    cf = centers.reshape(C * K, d)
    c2 = (cf ** 2).sum(-1)
    w = jax.nn.softmax(psi, axis=-1)  # [C, K]
    alpha = jax.nn.sigmoid(alpha_param)

    def one(base_i, S_i, XY_i, P_i, m_i):
        # top-p masking over slot scores (ProtoMixer._score_one)
        score_vec = P_i * m_i
        idx = jnp.argsort(-score_vec)
        vals = score_vec[idx]
        csum = jnp.cumsum(vals)
        k = jnp.maximum(1, (csum <= top_p * (score_vec.sum() + 1e-8)).sum())
        active = (jnp.arange(M) < k).astype(jnp.float32)  # mask equivalent to idx[:k]
        # build_feat_for_dim with target_dim = Dslot + 2
        S_feat = jnp.concatenate([_normalize(S_i), _normalize(XY_i) * XY_WEIGHT], axis=-1)  # [M, d]
        Ss = S_feat[idx]  # sorted rows; rows >= k are masked out below
        s2 = (Ss ** 2).sum(-1)
        dist2 = s2[:, None] + c2[None, :] - 2.0 * (Ss @ cf.T)  # [M, C*K]
        sim = jnp.exp(-BETA * dist2).reshape(M, C, K)
        per_row = (sim * w[None, :, :]).sum(-1)  # [M, C]
        scores = (per_row * active[:, None]).sum(0) / k.astype(jnp.float32)  # mean over active rows
        return alpha * base_i + (1.0 - alpha) * scores

    return jax.vmap(one)(base_b, S_slots_b, XY_b, P_b, mask_b)

if __name__ == "__main__":
    import jax
    _d = setup_inputs()
    print(jax.jit(kernel)(*tuple(_d.values())))

</pallas_src>

<mosaic_0001>
#map = affine_map<(d0, d1) -> (0, 0, 0)>
module attributes {stable_mosaic.version = 14 : i64} {
  func.func @_topp_sc_body(%arg0: i32, %arg1: i32, %arg2: memref<4x256x16xf32, #tpu.memory_space<hbm>>, %arg3: memref<4x256x16xf32, #tpu.memory_space<hbm>>, %arg4: memref<4x512x16xf32, #tpu.memory_space<hbm>>, %arg5: memref<256x16xf32, #tpu.memory_space<vmem>>, %arg6: memref<256x16xf32, #tpu.memory_space<vmem>>, %arg7: memref<32x16xf32, #tpu.memory_space<vmem>>, %arg8: memref<32x16xf32, #tpu.memory_space<vmem>>) attributes {dimension_semantics = [#tpu.dimension_semantics<core_parallel>, #tpu.dimension_semantics<subcore_parallel>], iteration_bounds = array<i64: 2, 16>, scalar_prefetch = 0 : i64, scratch_operands = 4 : i64, tpu.core_type = #tpu.core_type<sc_vector_subcore>, window_params = [{transform_indices = #map}, {transform_indices = #map}, {transform_indices = #map}]} {
    %mul3A = arith.constant 16 : i32
    %mul3A_0 = arith.muli %arg0, %mul3A : i32
    %add3A = arith.addi %mul3A_0, %arg1 : i32
    %jit3A = arith.constant 8 : i32
    %div3A = arith.divsi %add3A, %jit3A : i32
    %sign3A = arith.constant 0 : i32
    %sign3A_1 = arith.cmpi sgt, %add3A, %sign3A : i32
    %sign3A_2 = arith.extui %sign3A_1 : i1 to i32
    %sign3A_3 = arith.constant 0 : i32
    %sign3A_4 = arith.cmpi slt, %add3A, %sign3A_3 : i32
    %sign3A_5 = arith.extui %sign3A_4 : i1 to i32
    %sign3A_6 = arith.subi %sign3A_2, %sign3A_5 : i32
    %sign3A_7 = arith.constant 0 : i32
    %sign3A_8 = arith.cmpi sgt, %jit3A, %sign3A_7 : i32
    %sign3A_9 = arith.extui %sign3A_8 : i1 to i32
    %sign3A_10 = arith.constant 0 : i32
    %sign3A_11 = arith.cmpi slt, %jit3A, %sign3A_10 : i32
    %sign3A_12 = arith.extui %sign3A_11 : i1 to i32
    %sign3A_13 = arith.subi %sign3A_9, %sign3A_12 : i32
    %ne3A = arith.cmpi ne, %sign3A_6, %sign3A_13 : i32
    %rem3A = arith.remsi %add3A, %jit3A : i32
    %ne3A_14 = arith.constant 0 : i32
    %ne3A_15 = arith.cmpi ne, %rem3A, %ne3A_14 : i32
    %and3A = arith.andi %ne3A, %ne3A_15 : i1
    %sub3A = arith.constant 1 : i32
    %sub3A_16 = arith.subi %div3A, %sub3A : i32
    %select_n3A = arith.select %and3A, %sub3A_16, %div3A : i32
    %jit3A_17 = arith.constant 8 : i32
    %eq3A = arith.constant 0 : i32
    %eq3A_18 = arith.cmpi eq, %jit3A_17, %eq3A : i32
    %jit3A_19 = arith.constant 1 : i32
    %select_n3A_20 = arith.select %eq3A_18, %jit3A_19, %jit3A_17 : i32
    %rem3A_21 = arith.remsi %add3A, %select_n3A_20 : i32
    %ne3A_22 = arith.constant 0 : i32
    %ne3A_23 = arith.cmpi ne, %rem3A_21, %ne3A_22 : i32
    %lt3A = arith.constant 0 : i32
    %lt3A_24 = arith.cmpi slt, %rem3A_21, %lt3A : i32
    %lt3A_25 = arith.constant 0 : i32
    %lt3A_26 = arith.cmpi slt, %select_n3A_20, %lt3A_25 : i32
    %ne3A_27 = arith.xori %lt3A_24, %lt3A_26 : i1
    %and3A_28 = arith.andi %ne3A_27, %ne3A_23 : i1
    %add3A_29 = arith.addi %rem3A_21, %select_n3A_20 : i32
    %select_n3A_30 = arith.select %and3A_28, %add3A_29, %rem3A_21 : i32
    %mul3A_31 = arith.constant 32 : i32
    %mul3A_32 = arith.muli %select_n3A_30, %mul3A_31 : i32
    "tpu.region"() ({
      %run_scoped3A = tpu.sem_alloc : memref<!tpu.dma_semaphore, #tpu.memory_space<semaphore_mem>>
      %dma_start3A = arith.constant 0 : i32
      %dma_start3A_45 = arith.constant 0 : i32
      %dma_start3A_46 = tpu.memref_slice %arg2[%select_n3A, %dma_start3A, %dma_start3A_45] : memref<4x256x16xf32, #tpu.memory_space<hbm>> -> memref<1x256x16xf32, #tpu.memory_space<hbm>>
      %dma_start3A_47 = tpu.memref_squeeze %dma_start3A_46 : memref<1x256x16xf32, #tpu.memory_space<hbm>> -> memref<256x16xf32, #tpu.memory_space<hbm>>
      %dma_start3A_48 = arith.constant 0 : i32
      %dma_start3A_49 = arith.constant 0 : i32
      %dma_start3A_50 = tpu.memref_slice %arg2[%select_n3A, %dma_start3A_48, %dma_start3A_49] : memref<4x256x16xf32, #tpu.memory_space<hbm>> -> memref<1x256x16xf32, #tpu.memory_space<hbm>>
      %dma_start3A_51 = tpu.memref_squeeze %dma_start3A_50 : memref<1x256x16xf32, #tpu.memory_space<hbm>> -> memref<256x16xf32, #tpu.memory_space<hbm>>
      tpu.enqueue_dma source(%dma_start3A_51 : memref<256x16xf32, #tpu.memory_space<hbm>>) target(%arg5 : memref<256x16xf32, #tpu.memory_space<vmem>>) target_semaphore(%run_scoped3A : memref<!tpu.dma_semaphore, #tpu.memory_space<semaphore_mem>>)
      %dma_wait3A = arith.constant 0 : i32
      %dma_wait3A_52 = arith.constant 0 : i32
      %dma_wait3A_53 = tpu.memref_slice %arg2[%select_n3A, %dma_wait3A, %dma_wait3A_52] : memref<4x256x16xf32, #tpu.memory_space<hbm>> -> memref<1x256x16xf32, #tpu.memory_space<hbm>>
      %dma_wait3A_54 = tpu.memref_squeeze %dma_wait3A_53 : memref<1x256x16xf32, #tpu.memory_space<hbm>> -> memref<256x16xf32, #tpu.memory_space<hbm>>
      %dma_wait3A_55 = arith.constant 0 : i32
      %dma_wait3A_56 = arith.constant 0 : i32
      %dma_wait3A_57 = tpu.memref_slice %arg2[%select_n3A, %dma_wait3A_55, %dma_wait3A_56] : memref<4x256x16xf32, #tpu.memory_space<hbm>> -> memref<1x256x16xf32, #tpu.memory_space<hbm>>
      %dma_wait3A_58 = tpu.memref_squeeze %dma_wait3A_57 : memref<1x256x16xf32, #tpu.memory_space<hbm>> -> memref<256x16xf32, #tpu.memory_space<hbm>>
      tpu.wait_dma2 semaphore(%run_scoped3A : memref<!tpu.dma_semaphore, #tpu.memory_space<semaphore_mem>>) src(%dma_wait3A_58 : memref<256x16xf32, #tpu.memory_space<hbm>>) dst(%arg5 : memref<256x16xf32, #tpu.memory_space<vmem>>)
      tpu.yield
    }) : () -> ()
    "tpu.region"() ({
      %run_scoped3A = tpu.sem_alloc : memref<!tpu.dma_semaphore, #tpu.memory_space<semaphore_mem>>
      %dma_start3A = arith.constant 0 : i32
      %dma_start3A_45 = arith.constant 0 : i32
      %dma_start3A_46 = tpu.memref_slice %arg3[%select_n3A, %dma_start3A, %dma_start3A_45] : memref<4x256x16xf32, #tpu.memory_space<hbm>> -> memref<1x256x16xf32, #tpu.memory_space<hbm>>
      %dma_start3A_47 = tpu.memref_squeeze %dma_start3A_46 : memref<1x256x16xf32, #tpu.memory_space<hbm>> -> memref<256x16xf32, #tpu.memory_space<hbm>>
      %dma_start3A_48 = arith.constant 0 : i32
      %dma_start3A_49 = arith.constant 0 : i32
      %dma_start3A_50 = tpu.memref_slice %arg3[%select_n3A, %dma_start3A_48, %dma_start3A_49] : memref<4x256x16xf32, #tpu.memory_space<hbm>> -> memref<1x256x16xf32, #tpu.memory_space<hbm>>
      %dma_start3A_51 = tpu.memref_squeeze %dma_start3A_50 : memref<1x256x16xf32, #tpu.memory_space<hbm>> -> memref<256x16xf32, #tpu.memory_space<hbm>>
      tpu.enqueue_dma source(%dma_start3A_51 : memref<256x16xf32, #tpu.memory_space<hbm>>) target(%arg6 : memref<256x16xf32, #tpu.memory_space<vmem>>) target_semaphore(%run_scoped3A : memref<!tpu.dma_semaphore, #tpu.memory_space<semaphore_mem>>)
      %dma_wait3A = arith.constant 0 : i32
      %dma_wait3A_52 = arith.constant 0 : i32
      %dma_wait3A_53 = tpu.memref_slice %arg3[%select_n3A, %dma_wait3A, %dma_wait3A_52] : memref<4x256x16xf32, #tpu.memory_space<hbm>> -> memref<1x256x16xf32, #tpu.memory_space<hbm>>
      %dma_wait3A_54 = tpu.memref_squeeze %dma_wait3A_53 : memref<1x256x16xf32, #tpu.memory_space<hbm>> -> memref<256x16xf32, #tpu.memory_space<hbm>>
      %dma_wait3A_55 = arith.constant 0 : i32
      %dma_wait3A_56 = arith.constant 0 : i32
      %dma_wait3A_57 = tpu.memref_slice %arg3[%select_n3A, %dma_wait3A_55, %dma_wait3A_56] : memref<4x256x16xf32, #tpu.memory_space<hbm>> -> memref<1x256x16xf32, #tpu.memory_space<hbm>>
      %dma_wait3A_58 = tpu.memref_squeeze %dma_wait3A_57 : memref<1x256x16xf32, #tpu.memory_space<hbm>> -> memref<256x16xf32, #tpu.memory_space<hbm>>
      tpu.wait_dma2 semaphore(%run_scoped3A : memref<!tpu.dma_semaphore, #tpu.memory_space<semaphore_mem>>) src(%dma_wait3A_58 : memref<256x16xf32, #tpu.memory_space<hbm>>) dst(%arg6 : memref<256x16xf32, #tpu.memory_space<vmem>>)
      tpu.yield
    }) : () -> ()
    %broadcast_in_dim3A = arith.constant 0.000000e+00 : f32
    %broadcast_in_dim3A_33 = vector.broadcast %broadcast_in_dim3A : f32 to vector<16xf32>
    %scan3A = arith.constant 0 : i32
    %scan3A_34 = arith.constant 256 : i32
    %scan3A_35 = arith.addi %scan3A, %scan3A_34 : i32
    %scan3A_36 = arith.constant 1 : i32
    scf.for %scan3A_45 = %scan3A to %scan3A_35 step %scan3A_36  : i32 {
      %get3A = arith.index_cast %scan3A_45 : i32 to index
      %get3A_46 = arith.constant 0 : index
      %get3A_47 = tpu.vector_load %arg5[%get3A, %get3A_46] {strides = array<i32>} : memref<256x16xf32, #tpu.memory_space<vmem>>, vector<1x16xf32>,
      %get3A_48 = vector.shape_cast %get3A_47 : vector<1x16xf32> to vector<16xf32>
      %get3A_49 = arith.index_cast %scan3A_45 : i32 to index
      %get3A_50 = arith.constant 0 : index
      %get3A_51 = tpu.vector_load %arg6[%get3A_49, %get3A_50] {strides = array<i32>} : memref<256x16xf32, #tpu.memory_space<vmem>>, vector<1x16xf32>,
      %get3A_52 = vector.shape_cast %get3A_51 : vector<1x16xf32> to vector<16xf32>
      %mul3A_53 = arith.mulf %get3A_48, %get3A_52 : vector<16xf32>
      %swap3A = arith.index_cast %scan3A_45 : i32 to index
      %swap3A_54 = arith.constant 0 : index
      %swap3A_55 = tpu.vector_load %arg5[%swap3A, %swap3A_54] {strides = array<i32>} : memref<256x16xf32, #tpu.memory_space<vmem>>, vector<1x16xf32>,
      %swap3A_56 = vector.shape_cast %swap3A_55 : vector<1x16xf32> to vector<16xf32>
      %swap3A_57 = vector.shape_cast %mul3A_53 : vector<16xf32> to vector<1x16xf32>
      tpu.vector_store %arg5[%swap3A, %swap3A_54], %swap3A_57 {strides = array<i32>} : memref<256x16xf32, #tpu.memory_space<vmem>>, vector<1x16xf32>,
    }
    %scan3A_37 = arith.constant 256 : i32
    %scan3A_38 = arith.constant 0 : i32
    %scan3A_39 = arith.constant 32 : i32
    %scan3A_40 = arith.addi %scan3A_38, %scan3A_39 : i32
    %scan3A_41 = arith.constant 1 : i32
    scf.for %scan3A_45 = %scan3A_38 to %scan3A_40 step %scan3A_41  : i32 {
      %add3A_46 = arith.addi %mul3A_32, %scan3A_45 : i32
      %get3A = arith.index_cast %add3A_46 : i32 to index
      %get3A_47 = arith.constant 0 : index
      %get3A_48 = tpu.vector_load %arg5[%get3A, %get3A_47] {strides = array<i32>} : memref<256x16xf32, #tpu.memory_space<vmem>>, vector<1x16xf32>,
      %get3A_49 = vector.shape_cast %get3A_48 : vector<1x16xf32> to vector<16xf32>
      %scan3A_50 = arith.constant 0 : i32
      %scan3A_51 = arith.constant 256 : i32
      %scan3A_52 = arith.addi %scan3A_50, %scan3A_51 : i32
      %scan3A_53 = arith.constant 16 : i32
      %scan3A_54:2 = scf.for %scan3A_65 = %scan3A_50 to %scan3A_52 step %scan3A_53 iter_args(%scan3A_66 = %broadcast_in_dim3A_33, %scan3A_67 = %broadcast_in_dim3A_33) -> (vector<16xf32>, vector<16xf32>)  : i32 {
        %get3A_68 = arith.index_cast %scan3A_65 : i32 to index
        %get3A_69 = arith.constant 0 : index
        %get3A_70 = tpu.vector_load %arg5[%get3A_68, %get3A_69] {strides = array<i32>} : memref<256x16xf32, #tpu.memory_space<vmem>>, vector<1x16xf32>,
        %get3A_71 = vector.shape_cast %get3A_70 : vector<1x16xf32> to vector<16xf32>
        %le3A = arith.cmpi sle, %scan3A_65, %add3A_46 : i32
        %jit3A_72 = arith.constant 1.000000e+00 : f32
        %jit3A_73 = arith.constant 0.000000e+00 : f32
        %select_n3A_74 = arith.select %le3A, %jit3A_72, %jit3A_73 : f32
        %gt3A = arith.cmpf ogt, %get3A_71, %get3A_49 : vector<16xf32>
        %eq3A_75 = arith.cmpf oeq, %get3A_71, %get3A_49 : vector<16xf32>
        %jit3A_76 = arith.constant 0.000000e+00 : f32
        %broadcast_in_dim3A_77 = vector.broadcast %select_n3A_74 : f32 to vector<16xf32>
        %broadcast_in_dim3A_78 = vector.broadcast %jit3A_76 : f32 to vector<16xf32>
        %select_n3A_79 = arith.select %eq3A_75, %broadcast_in_dim3A_77, %broadcast_in_dim3A_78 : vector<16xi1>, vector<16xf32>
        %jit3A_80 = arith.constant 1.000000e+00 : f32
        %broadcast_in_dim3A_81 = vector.broadcast %jit3A_80 : f32 to vector<16xf32>
        %select_n3A_82 = arith.select %gt3A, %broadcast_in_dim3A_81, %select_n3A_79 : vector<16xi1>, vector<16xf32>
        %mul3A_83 = arith.mulf %select_n3A_82, %get3A_71 : vector<16xf32>
        %add3A_84 = arith.addf %scan3A_66, %mul3A_83 : vector<16xf32>
        %add3A_85 = arith.addf %scan3A_67, %select_n3A_82 : vector<16xf32>
        %scan3A_86 = arith.constant 1 : i32
        %scan3A_87 = arith.addi %scan3A_65, %scan3A_86 : i32
        %get3A_88 = arith.index_cast %scan3A_87 : i32 to index
        %get3A_89 = arith.constant 0 : index
        %get3A_90 = tpu.vector_load %arg5[%get3A_88, %get3A_89] {strides = array<i32>} : memref<256x16xf32, #tpu.memory_space<vmem>>, vector<1x16xf32>,
        %get3A_91 = vector.shape_cast %get3A_90 : vector<1x16xf32> to vector<16xf32>
        %le3A_92 = arith.cmpi sle, %scan3A_87, %add3A_46 : i32
        %jit3A_93 = arith.constant 1.000000e+00 : f32
        %jit3A_94 = arith.constant 0.000000e+00 : f32
        %select_n3A_95 = arith.select %le3A_92, %jit3A_93, %jit3A_94 : f32
        %gt3A_96 = arith.cmpf ogt, %get3A_91, %get3A_49 : vector<16xf32>
        %eq3A_97 = arith.cmpf oeq, %get3A_91, %get3A_49 : vector<16xf32>
        %jit3A_98 = arith.constant 0.000000e+00 : f32
        %broadcast_in_dim3A_99 = vector.broadcast %select_n3A_95 : f32 to vector<16xf32>
        %broadcast_in_dim3A_100 = vector.broadcast %jit3A_98 : f32 to vector<16xf32>
        %select_n3A_101 = arith.select %eq3A_97, %broadcast_in_dim3A_99, %broadcast_in_dim3A_100 : vector<16xi1>, vector<16xf32>
        %jit3A_102 = arith.constant 1.000000e+00 : f32
        %broadcast_in_dim3A_103 = vector.broadcast %jit3A_102 : f32 to vector<16xf32>
        %select_n3A_104 = arith.select %gt3A_96, %broadcast_in_dim3A_103, %select_n3A_101 : vector<16xi1>, vector<16xf32>
        %mul3A_105 = arith.mulf %select_n3A_104, %get3A_91 : vector<16xf32>
        %add3A_106 = arith.addf %add3A_84, %mul3A_105 : vector<16xf32>
        %add3A_107 = arith.addf %add3A_85, %select_n3A_104 : vector<16xf32>
        %scan3A_108 = arith.constant 2 : i32
        %scan3A_109 = arith.addi %scan3A_65, %scan3A_108 : i32
        %get3A_110 = arith.index_cast %scan3A_109 : i32 to index
        %get3A_111 = arith.constant 0 : index
        %get3A_112 = tpu.vector_load %arg5[%get3A_110, %get3A_111] {strides = array<i32>} : memref<256x16xf32, #tpu.memory_space<vmem>>, vector<1x16xf32>,
        %get3A_113 = vector.shape_cast %get3A_112 : vector<1x16xf32> to vector<16xf32>
        %le3A_114 = arith.cmpi sle, %scan3A_109, %add3A_46 : i32
        %jit3A_115 = arith.constant 1.000000e+00 : f32
        %jit3A_116 = arith.constant 0.000000e+00 : f32
        %select_n3A_117 = arith.select %le3A_114, %jit3A_115, %jit3A_116 : f32
        %gt3A_118 = arith.cmpf ogt, %get3A_113, %get3A_49 : vector<16xf32>
        %eq3A_119 = arith.cmpf oeq, %get3A_113, %get3A_49 : vector<16xf32>
        %jit3A_120 = arith.constant 0.000000e+00 : f32
        %broadcast_in_dim3A_121 = vector.broadcast %select_n3A_117 : f32 to vector<16xf32>
        %broadcast_in_dim3A_122 = vector.broadcast %jit3A_120 : f32 to vector<16xf32>
        %select_n3A_123 = arith.select %eq3A_119, %broadcast_in_dim3A_121, %broadcast_in_dim3A_122 : vector<16xi1>, vector<16xf32>
        %jit3A_124 = arith.constant 1.000000e+00 : f32
        %broadcast_in_dim3A_125 = vector.broadcast %jit3A_124 : f32 to vector<16xf32>
        %select_n3A_126 = arith.select %gt3A_118, %broadcast_in_dim3A_125, %select_n3A_123 : vector<16xi1>, vector<16xf32>
        %mul3A_127 = arith.mulf %select_n3A_126, %get3A_113 : vector<16xf32>
        %add3A_128 = arith.addf %add3A_106, %mul3A_127 : vector<16xf32>
        %add3A_129 = arith.addf %add3A_107, %select_n3A_126 : vector<16xf32>
        %scan3A_130 = arith.constant 3 : i32
        %scan3A_131 = arith.addi %scan3A_65, %scan3A_130 : i32
        %get3A_132 = arith.index_cast %scan3A_131 : i32 to index
        %get3A_133 = arith.constant 0 : index
        %get3A_134 = tpu.vector_load %arg5[%get3A_132, %get3A_133] {strides = array<i32>} : memref<256x16xf32, #tpu.memory_space<vmem>>, vector<1x16xf32>,
        %get3A_135 = vector.shape_cast %get3A_134 : vector<1x16xf32> to vector<16xf32>
        %le3A_136 = arith.cmpi sle, %scan3A_131, %add3A_46 : i32
        %jit3A_137 = arith.constant 1.000000e+00 : f32
        %jit3A_138 = arith.constant 0.000000e+00 : f32
        %select_n3A_139 = arith.select %le3A_136, %jit3A_137, %jit3A_138 : f32
        %gt3A_140 = arith.cmpf ogt, %get3A_135, %get3A_49 : vector<16xf32>
        %eq3A_141 = arith.cmpf oeq, %get3A_135, %get3A_49 : vector<16xf32>
        %jit3A_142 = arith.constant 0.000000e+00 : f32
        %broadcast_in_dim3A_143 = vector.broadcast %select_n3A_139 : f32 to vector<16xf32>
        %broadcast_in_dim3A_144 = vector.broadcast %jit3A_142 : f32 to vector<16xf32>
        %select_n3A_145 = arith.select %eq3A_141, %broadcast_in_dim3A_143, %broadcast_in_dim3A_144 : vector<16xi1>, vector<16xf32>
        %jit3A_146 = arith.constant 1.000000e+00 : f32
        %broadcast_in_dim3A_147 = vector.broadcast %jit3A_146 : f32 to vector<16xf32>
        %select_n3A_148 = arith.select %gt3A_140, %broadcast_in_dim3A_147, %select_n3A_145 : vector<16xi1>, vector<16xf32>
        %mul3A_149 = arith.mulf %select_n3A_148, %get3A_135 : vector<16xf32>
        %add3A_150 = arith.addf %add3A_128, %mul3A_149 : vector<16xf32>
        %add3A_151 = arith.addf %add3A_129, %select_n3A_148 : vector<16xf32>
        %scan3A_152 = arith.constant 4 : i32
        %scan3A_153 = arith.addi %scan3A_65, %scan3A_152 : i32
        %get3A_154 = arith.index_cast %scan3A_153 : i32 to index
        %get3A_155 = arith.constant 0 : index
        %get3A_156 = tpu.vector_load %arg5[%get3A_154, %get3A_155] {strides = array<i32>} : memref<256x16xf32, #tpu.memory_space<vmem>>, vector<1x16xf32>,
        %get3A_157 = vector.shape_cast %get3A_156 : vector<1x16xf32> to vector<16xf32>
        %le3A_158 = arith.cmpi sle, %scan3A_153, %add3A_46 : i32
        %jit3A_159 = arith.constant 1.000000e+00 : f32
        %jit3A_160 = arith.constant 0.000000e+00 : f32
        %select_n3A_161 = arith.select %le3A_158, %jit3A_159, %jit3A_160 : f32
        %gt3A_162 = arith.cmpf ogt, %get3A_157, %get3A_49 : vector<16xf32>
        %eq3A_163 = arith.cmpf oeq, %get3A_157, %get3A_49 : vector<16xf32>
        %jit3A_164 = arith.constant 0.000000e+00 : f32
        %broadcast_in_dim3A_165 = vector.broadcast %select_n3A_161 : f32 to vector<16xf32>
        %broadcast_in_dim3A_166 = vector.broadcast %jit3A_164 : f32 to vector<16xf32>
        %select_n3A_167 = arith.select %eq3A_163, %broadcast_in_dim3A_165, %broadcast_in_dim3A_166 : vector<16xi1>, vector<16xf32>
        %jit3A_168 = arith.constant 1.000000e+00 : f32
        %broadcast_in_dim3A_169 = vector.broadcast %jit3A_168 : f32 to vector<16xf32>
        %select_n3A_170 = arith.select %gt3A_162, %broadcast_in_dim3A_169, %select_n3A_167 : vector<16xi1>, vector<16xf32>
        %mul3A_171 = arith.mulf %select_n3A_170, %get3A_157 : vector<16xf32>
        %add3A_172 = arith.addf %add3A_150, %mul3A_171 : vector<16xf32>
        %add3A_173 = arith.addf %add3A_151, %select_n3A_170 : vector<16xf32>
        %scan3A_174 = arith.constant 5 : i32
        %scan3A_175 = arith.addi %scan3A_65, %scan3A_174 : i32
        %get3A_176 = arith.index_cast %scan3A_175 : i32 to index
        %get3A_177 = arith.constant 0 : index
        %get3A_178 = tpu.vector_load %arg5[%get3A_176, %get3A_177] {strides = array<i32>} : memref<256x16xf32, #tpu.memory_space<vmem>>, vector<1x16xf32>,
        %get3A_179 = vector.shape_cast %get3A_178 : vector<1x16xf32> to vector<16xf32>
        %le3A_180 = arith.cmpi sle, %scan3A_175, %add3A_46 : i32
        %jit3A_181 = arith.constant 1.000000e+00 : f32
        %jit3A_182 = arith.constant 0.000000e+00 : f32
        %select_n3A_183 = arith.select %le3A_180, %jit3A_181, %jit3A_182 : f32
        %gt3A_184 = arith.cmpf ogt, %get3A_179, %get3A_49 : vector<16xf32>
        %eq3A_185 = arith.cmpf oeq, %get3A_179, %get3A_49 : vector<16xf32>
        %jit3A_186 = arith.constant 0.000000e+00 : f32
        %broadcast_in_dim3A_187 = vector.broadcast %select_n3A_183 : f32 to vector<16xf32>
        %broadcast_in_dim3A_188 = vector.broadcast %jit3A_186 : f32 to vector<16xf32>
        %select_n3A_189 = arith.select %eq3A_185, %broadcast_in_dim3A_187, %broadcast_in_dim3A_188 : vector<16xi1>, vector<16xf32>
        %jit3A_190 = arith.constant 1.000000e+00 : f32
        %broadcast_in_dim3A_191 = vector.broadcast %jit3A_190 : f32 to vector<16xf32>
        %select_n3A_192 = arith.select %gt3A_184, %broadcast_in_dim3A_191, %select_n3A_189 : vector<16xi1>, vector<16xf32>
        %mul3A_193 = arith.mulf %select_n3A_192, %get3A_179 : vector<16xf32>
        %add3A_194 = arith.addf %add3A_172, %mul3A_193 : vector<16xf32>
        %add3A_195 = arith.addf %add3A_173, %select_n3A_192 : vector<16xf32>
        %scan3A_196 = arith.constant 6 : i32
        %scan3A_197 = arith.addi %scan3A_65, %scan3A_196 : i32
        %get3A_198 = arith.index_cast %scan3A_197 : i32 to index
        %get3A_199 = arith.constant 0 : index
        %get3A_200 = tpu.vector_load %arg5[%get3A_198, %get3A_199] {strides = array<i32>} : memref<256x16xf32, #tpu.memory_space<vmem>>, vector<1x16xf32>,
        %get3A_201 = vector.shape_cast %get3A_200 : vector<1x16xf32> to vector<16xf32>
        %le3A_202 = arith.cmpi sle, %scan3A_197, %add3A_46 : i32
        %jit3A_203 = arith.constant 1.000000e+00 : f32
        %jit3A_204 = arith.constant 0.000000e+00 : f32
        %select_n3A_205 = arith.select %le3A_202, %jit3A_203, %jit3A_204 : f32
        %gt3A_206 = arith.cmpf ogt, %get3A_201, %get3A_49 : vector<16xf32>
        %eq3A_207 = arith.cmpf oeq, %get3A_201, %get3A_49 : vector<16xf32>
        %jit3A_208 = arith.constant 0.000000e+00 : f32
        %broadcast_in_dim3A_209 = vector.broadcast %select_n3A_205 : f32 to vector<16xf32>
        %broadcast_in_dim3A_210 = vector.broadcast %jit3A_208 : f32 to vector<16xf32>
        %select_n3A_211 = arith.select %eq3A_207, %broadcast_in_dim3A_209, %broadcast_in_dim3A_210 : vector<16xi1>, vector<16xf32>
        %jit3A_212 = arith.constant 1.000000e+00 : f32
        %broadcast_in_dim3A_213 = vector.broadcast %jit3A_212 : f32 to vector<16xf32>
        %select_n3A_214 = arith.select %gt3A_206, %broadcast_in_dim3A_213, %select_n3A_211 : vector<16xi1>, vector<16xf32>
        %mul3A_215 = arith.mulf %select_n3A_214, %get3A_201 : vector<16xf32>
        %add3A_216 = arith.addf %add3A_194, %mul3A_215 : vector<16xf32>
        %add3A_217 = arith.addf %add3A_195, %select_n3A_214 : vector<16xf32>
        %scan3A_218 = arith.constant 7 : i32
        %scan3A_219 = arith.addi %scan3A_65, %scan3A_218 : i32
        %get3A_220 = arith.index_cast %scan3A_219 : i32 to index
        %get3A_221 = arith.constant 0 : index
        %get3A_222 = tpu.vector_load %arg5[%get3A_220, %get3A_221] {strides = array<i32>} : memref<256x16xf32, #tpu.memory_space<vmem>>, vector<1x16xf32>,
        %get3A_223 = vector.shape_cast %get3A_222 : vector<1x16xf32> to vector<16xf32>
        %le3A_224 = arith.cmpi sle, %scan3A_219, %add3A_46 : i32
        %jit3A_225 = arith.constant 1.000000e+00 : f32
        %jit3A_226 = arith.constant 0.000000e+00 : f32
        %select_n3A_227 = arith.select %le3A_224, %jit3A_225, %jit3A_226 : f32
        %gt3A_228 = arith.cmpf ogt, %get3A_223, %get3A_49 : vector<16xf32>
        %eq3A_229 = arith.cmpf oeq, %get3A_223, %get3A_49 : vector<16xf32>
        %jit3A_230 = arith.constant 0.000000e+00 : f32
        %broadcast_in_dim3A_231 = vector.broadcast %select_n3A_227 : f32 to vector<16xf32>
        %broadcast_in_dim3A_232 = vector.broadcast %jit3A_230 : f32 to vector<16xf32>
        %select_n3A_233 = arith.select %eq3A_229, %broadcast_in_dim3A_231, %broadcast_in_dim3A_232 : vector<16xi1>, vector<16xf32>
        %jit3A_234 = arith.constant 1.000000e+00 : f32
        %broadcast_in_dim3A_235 = vector.broadcast %jit3A_234 : f32 to vector<16xf32>
        %select_n3A_236 = arith.select %gt3A_228, %broadcast_in_dim3A_235, %select_n3A_233 : vector<16xi1>, vector<16xf32>
        %mul3A_237 = arith.mulf %select_n3A_236, %get3A_223 : vector<16xf32>
        %add3A_238 = arith.addf %add3A_216, %mul3A_237 : vector<16xf32>
        %add3A_239 = arith.addf %add3A_217, %select_n3A_236 : vector<16xf32>
        %scan3A_240 = arith.constant 8 : i32
        %scan3A_241 = arith.addi %scan3A_65, %scan3A_240 : i32
        %get3A_242 = arith.index_cast %scan3A_241 : i32 to index
        %get3A_243 = arith.constant 0 : index
        %get3A_244 = tpu.vector_load %arg5[%get3A_242, %get3A_243] {strides = array<i32>} : memref<256x16xf32, #tpu.memory_space<vmem>>, vector<1x16xf32>,
        %get3A_245 = vector.shape_cast %get3A_244 : vector<1x16xf32> to vector<16xf32>
        %le3A_246 = arith.cmpi sle, %scan3A_241, %add3A_46 : i32
        %jit3A_247 = arith.constant 1.000000e+00 : f32
        %jit3A_248 = arith.constant 0.000000e+00 : f32
        %select_n3A_249 = arith.select %le3A_246, %jit3A_247, %jit3A_248 : f32
        %gt3A_250 = arith.cmpf ogt, %get3A_245, %get3A_49 : vector<16xf32>
        %eq3A_251 = arith.cmpf oeq, %get3A_245, %get3A_49 : vector<16xf32>
        %jit3A_252 = arith.constant 0.000000e+00 : f32
        %broadcast_in_dim3A_253 = vector.broadcast %select_n3A_249 : f32 to vector<16xf32>
        %broadcast_in_dim3A_254 = vector.broadcast %jit3A_252 : f32 to vector<16xf32>
        %select_n3A_255 = arith.select %eq3A_251, %broadcast_in_dim3A_253, %broadcast_in_dim3A_254 : vector<16xi1>, vector<16xf32>
        %jit3A_256 = arith.constant 1.000000e+00 : f32
        %broadcast_in_dim3A_257 = vector.broadcast %jit3A_256 : f32 to vector<16xf32>
        %select_n3A_258 = arith.select %gt3A_250, %broadcast_in_dim3A_257, %select_n3A_255 : vector<16xi1>, vector<16xf32>
        %mul3A_259 = arith.mulf %select_n3A_258, %get3A_245 : vector<16xf32>
        %add3A_260 = arith.addf %add3A_238, %mul3A_259 : vector<16xf32>
        %add3A_261 = arith.addf %add3A_239, %select_n3A_258 : vector<16xf32>
        %scan3A_262 = arith.constant 9 : i32
        %scan3A_263 = arith.addi %scan3A_65, %scan3A_262 : i32
        %get3A_264 = arith.index_cast %scan3A_263 : i32 to index
        %get3A_265 = arith.constant 0 : index
        %get3A_266 = tpu.vector_load %arg5[%get3A_264, %get3A_265] {strides = array<i32>} : memref<256x16xf32, #tpu.memory_space<vmem>>, vector<1x16xf32>,
        %get3A_267 = vector.shape_cast %get3A_266 : vector<1x16xf32> to vector<16xf32>
        %le3A_268 = arith.cmpi sle, %scan3A_263, %add3A_46 : i32
        %jit3A_269 = arith.constant 1.000000e+00 : f32
        %jit3A_270 = arith.constant 0.000000e+00 : f32
        %select_n3A_271 = arith.select %le3A_268, %jit3A_269, %jit3A_270 : f32
        %gt3A_272 = arith.cmpf ogt, %get3A_267, %get3A_49 : vector<16xf32>
        %eq3A_273 = arith.cmpf oeq, %get3A_267, %get3A_49 : vector<16xf32>
        %jit3A_274 = arith.constant 0.000000e+00 : f32
        %broadcast_in_dim3A_275 = vector.broadcast %select_n3A_271 : f32 to vector<16xf32>
        %broadcast_in_dim3A_276 = vector.broadcast %jit3A_274 : f32 to vector<16xf32>
        %select_n3A_277 = arith.select %eq3A_273, %broadcast_in_dim3A_275, %broadcast_in_dim3A_276 : vector<16xi1>, vector<16xf32>
        %jit3A_278 = arith.constant 1.000000e+00 : f32
        %broadcast_in_dim3A_279 = vector.broadcast %jit3A_278 : f32 to vector<16xf32>
        %select_n3A_280 = arith.select %gt3A_272, %broadcast_in_dim3A_279, %select_n3A_277 : vector<16xi1>, vector<16xf32>
        %mul3A_281 = arith.mulf %select_n3A_280, %get3A_267 : vector<16xf32>
        %add3A_282 = arith.addf %add3A_260, %mul3A_281 : vector<16xf32>
        %add3A_283 = arith.addf %add3A_261, %select_n3A_280 : vector<16xf32>
        %scan3A_284 = arith.constant 10 : i32
        %scan3A_285 = arith.addi %scan3A_65, %scan3A_284 : i32
        %get3A_286 = arith.index_cast %scan3A_285 : i32 to index
        %get3A_287 = arith.constant 0 : index
        %get3A_288 = tpu.vector_load %arg5[%get3A_286, %get3A_287] {strides = array<i32>} : memref<256x16xf32, #tpu.memory_space<vmem>>, vector<1x16xf32>,
        %get3A_289 = vector.shape_cast %get3A_288 : vector<1x16xf32> to vector<16xf32>
        %le3A_290 = arith.cmpi sle, %scan3A_285, %add3A_46 : i32
        %jit3A_291 = arith.constant 1.000000e+00 : f32
        %jit3A_292 = arith.constant 0.000000e+00 : f32
        %select_n3A_293 = arith.select %le3A_290, %jit3A_291, %jit3A_292 : f32
        %gt3A_294 = arith.cmpf ogt, %get3A_289, %get3A_49 : vector<16xf32>
        %eq3A_295 = arith.cmpf oeq, %get3A_289, %get3A_49 : vector<16xf32>
        %jit3A_296 = arith.constant 0.000000e+00 : f32
        %broadcast_in_dim3A_297 = vector.broadcast %select_n3A_293 : f32 to vector<16xf32>
        %broadcast_in_dim3A_298 = vector.broadcast %jit3A_296 : f32 to vector<16xf32>
        %select_n3A_299 = arith.select %eq3A_295, %broadcast_in_dim3A_297, %broadcast_in_dim3A_298 : vector<16xi1>, vector<16xf32>
        %jit3A_300 = arith.constant 1.000000e+00 : f32
        %broadcast_in_dim3A_301 = vector.broadcast %jit3A_300 : f32 to vector<16xf32>
        %select_n3A_302 = arith.select %gt3A_294, %broadcast_in_dim3A_301, %select_n3A_299 : vector<16xi1>, vector<16xf32>
        %mul3A_303 = arith.mulf %select_n3A_302, %get3A_289 : vector<16xf32>
        %add3A_304 = arith.addf %add3A_282, %mul3A_303 : vector<16xf32>
        %add3A_305 = arith.addf %add3A_283, %select_n3A_302 : vector<16xf32>
        %scan3A_306 = arith.constant 11 : i32
        %scan3A_307 = arith.addi %scan3A_65, %scan3A_306 : i32
        %get3A_308 = arith.index_cast %scan3A_307 : i32 to index
        %get3A_309 = arith.constant 0 : index
        %get3A_310 = tpu.vector_load %arg5[%get3A_308, %get3A_309] {strides = array<i32>} : memref<256x16xf32, #tpu.memory_space<vmem>>, vector<1x16xf32>,
        %get3A_311 = vector.shape_cast %get3A_310 : vector<1x16xf32> to vector<16xf32>
        %le3A_312 = arith.cmpi sle, %scan3A_307, %add3A_46 : i32
        %jit3A_313 = arith.constant 1.000000e+00 : f32
        %jit3A_314 = arith.constant 0.000000e+00 : f32
        %select_n3A_315 = arith.select %le3A_312, %jit3A_313, %jit3A_314 : f32
        %gt3A_316 = arith.cmpf ogt, %get3A_311, %get3A_49 : vector<16xf32>
        %eq3A_317 = arith.cmpf oeq, %get3A_311, %get3A_49 : vector<16xf32>
        %jit3A_318 = arith.constant 0.000000e+00 : f32
        %broadcast_in_dim3A_319 = vector.broadcast %select_n3A_315 : f32 to vector<16xf32>
        %broadcast_in_dim3A_320 = vector.broadcast %jit3A_318 : f32 to vector<16xf32>
        %select_n3A_321 = arith.select %eq3A_317, %broadcast_in_dim3A_319, %broadcast_in_dim3A_320 : vector<16xi1>, vector<16xf32>
        %jit3A_322 = arith.constant 1.000000e+00 : f32
        %broadcast_in_dim3A_323 = vector.broadcast %jit3A_322 : f32 to vector<16xf32>
        %select_n3A_324 = arith.select %gt3A_316, %broadcast_in_dim3A_323, %select_n3A_321 : vector<16xi1>, vector<16xf32>
        %mul3A_325 = arith.mulf %select_n3A_324, %get3A_311 : vector<16xf32>
        %add3A_326 = arith.addf %add3A_304, %mul3A_325 : vector<16xf32>
        %add3A_327 = arith.addf %add3A_305, %select_n3A_324 : vector<16xf32>
        %scan3A_328 = arith.constant 12 : i32
        %scan3A_329 = arith.addi %scan3A_65, %scan3A_328 : i32
        %get3A_330 = arith.index_cast %scan3A_329 : i32 to index
        %get3A_331 = arith.constant 0 : index
        %get3A_332 = tpu.vector_load %arg5[%get3A_330, %get3A_331] {strides = array<i32>} : memref<256x16xf32, #tpu.memory_space<vmem>>, vector<1x16xf32>,
        %get3A_333 = vector.shape_cast %get3A_332 : vector<1x16xf32> to vector<16xf32>
        %le3A_334 = arith.cmpi sle, %scan3A_329, %add3A_46 : i32
        %jit3A_335 = arith.constant 1.000000e+00 : f32
        %jit3A_336 = arith.constant 0.000000e+00 : f32
        %select_n3A_337 = arith.select %le3A_334, %jit3A_335, %jit3A_336 : f32
        %gt3A_338 = arith.cmpf ogt, %get3A_333, %get3A_49 : vector<16xf32>
        %eq3A_339 = arith.cmpf oeq, %get3A_333, %get3A_49 : vector<16xf32>
        %jit3A_340 = arith.constant 0.000000e+00 : f32
        %broadcast_in_dim3A_341 = vector.broadcast %select_n3A_337 : f32 to vector<16xf32>
        %broadcast_in_dim3A_342 = vector.broadcast %jit3A_340 : f32 to vector<16xf32>
        %select_n3A_343 = arith.select %eq3A_339, %broadcast_in_dim3A_341, %broadcast_in_dim3A_342 : vector<16xi1>, vector<16xf32>
        %jit3A_344 = arith.constant 1.000000e+00 : f32
        %broadcast_in_dim3A_345 = vector.broadcast %jit3A_344 : f32 to vector<16xf32>
        %select_n3A_346 = arith.select %gt3A_338, %broadcast_in_dim3A_345, %select_n3A_343 : vector<16xi1>, vector<16xf32>
        %mul3A_347 = arith.mulf %select_n3A_346, %get3A_333 : vector<16xf32>
        %add3A_348 = arith.addf %add3A_326, %mul3A_347 : vector<16xf32>
        %add3A_349 = arith.addf %add3A_327, %select_n3A_346 : vector<16xf32>
        %scan3A_350 = arith.constant 13 : i32
        %scan3A_351 = arith.addi %scan3A_65, %scan3A_350 : i32
        %get3A_352 = arith.index_cast %scan3A_351 : i32 to index
        %get3A_353 = arith.constant 0 : index
        %get3A_354 = tpu.vector_load %arg5[%get3A_352, %get3A_353] {strides = array<i32>} : memref<256x16xf32, #tpu.memory_space<vmem>>, vector<1x16xf32>,
        %get3A_355 = vector.shape_cast %get3A_354 : vector<1x16xf32> to vector<16xf32>
        %le3A_356 = arith.cmpi sle, %scan3A_351, %add3A_46 : i32
        %jit3A_357 = arith.constant 1.000000e+00 : f32
        %jit3A_358 = arith.constant 0.000000e+00 : f32
        %select_n3A_359 = arith.select %le3A_356, %jit3A_357, %jit3A_358 : f32
        %gt3A_360 = arith.cmpf ogt, %get3A_355, %get3A_49 : vector<16xf32>
        %eq3A_361 = arith.cmpf oeq, %get3A_355, %get3A_49 : vector<16xf32>
        %jit3A_362 = arith.constant 0.000000e+00 : f32
        %broadcast_in_dim3A_363 = vector.broadcast %select_n3A_359 : f32 to vector<16xf32>
        %broadcast_in_dim3A_364 = vector.broadcast %jit3A_362 : f32 to vector<16xf32>
        %select_n3A_365 = arith.select %eq3A_361, %broadcast_in_dim3A_363, %broadcast_in_dim3A_364 : vector<16xi1>, vector<16xf32>
        %jit3A_366 = arith.constant 1.000000e+00 : f32
        %broadcast_in_dim3A_367 = vector.broadcast %jit3A_366 : f32 to vector<16xf32>
        %select_n3A_368 = arith.select %gt3A_360, %broadcast_in_dim3A_367, %select_n3A_365 : vector<16xi1>, vector<16xf32>
        %mul3A_369 = arith.mulf %select_n3A_368, %get3A_355 : vector<16xf32>
        %add3A_370 = arith.addf %add3A_348, %mul3A_369 : vector<16xf32>
        %add3A_371 = arith.addf %add3A_349, %select_n3A_368 : vector<16xf32>
        %scan3A_372 = arith.constant 14 : i32
        %scan3A_373 = arith.addi %scan3A_65, %scan3A_372 : i32
        %get3A_374 = arith.index_cast %scan3A_373 : i32 to index
        %get3A_375 = arith.constant 0 : index
        %get3A_376 = tpu.vector_load %arg5[%get3A_374, %get3A_375] {strides = array<i32>} : memref<256x16xf32, #tpu.memory_space<vmem>>, vector<1x16xf32>,
        %get3A_377 = vector.shape_cast %get3A_376 : vector<1x16xf32> to vector<16xf32>
        %le3A_378 = arith.cmpi sle, %scan3A_373, %add3A_46 : i32
        %jit3A_379 = arith.constant 1.000000e+00 : f32
        %jit3A_380 = arith.constant 0.000000e+00 : f32
        %select_n3A_381 = arith.select %le3A_378, %jit3A_379, %jit3A_380 : f32
        %gt3A_382 = arith.cmpf ogt, %get3A_377, %get3A_49 : vector<16xf32>
        %eq3A_383 = arith.cmpf oeq, %get3A_377, %get3A_49 : vector<16xf32>
        %jit3A_384 = arith.constant 0.000000e+00 : f32
        %broadcast_in_dim3A_385 = vector.broadcast %select_n3A_381 : f32 to vector<16xf32>
        %broadcast_in_dim3A_386 = vector.broadcast %jit3A_384 : f32 to vector<16xf32>
        %select_n3A_387 = arith.select %eq3A_383, %broadcast_in_dim3A_385, %broadcast_in_dim3A_386 : vector<16xi1>, vector<16xf32>
        %jit3A_388 = arith.constant 1.000000e+00 : f32
        %broadcast_in_dim3A_389 = vector.broadcast %jit3A_388 : f32 to vector<16xf32>
        %select_n3A_390 = arith.select %gt3A_382, %broadcast_in_dim3A_389, %select_n3A_387 : vector<16xi1>, vector<16xf32>
        %mul3A_391 = arith.mulf %select_n3A_390, %get3A_377 : vector<16xf32>
        %add3A_392 = arith.addf %add3A_370, %mul3A_391 : vector<16xf32>
        %add3A_393 = arith.addf %add3A_371, %select_n3A_390 : vector<16xf32>
        %scan3A_394 = arith.constant 15 : i32
        %scan3A_395 = arith.addi %scan3A_65, %scan3A_394 : i32
        %get3A_396 = arith.index_cast %scan3A_395 : i32 to index
        %get3A_397 = arith.constant 0 : index
        %get3A_398 = tpu.vector_load %arg5[%get3A_396, %get3A_397] {strides = array<i32>} : memref<256x16xf32, #tpu.memory_space<vmem>>, vector<1x16xf32>,
        %get3A_399 = vector.shape_cast %get3A_398 : vector<1x16xf32> to vector<16xf32>
        %le3A_400 = arith.cmpi sle, %scan3A_395, %add3A_46 : i32
        %jit3A_401 = arith.constant 1.000000e+00 : f32
        %jit3A_402 = arith.constant 0.000000e+00 : f32
        %select_n3A_403 = arith.select %le3A_400, %jit3A_401, %jit3A_402 : f32
        %gt3A_404 = arith.cmpf ogt, %get3A_399, %get3A_49 : vector<16xf32>
        %eq3A_405 = arith.cmpf oeq, %get3A_399, %get3A_49 : vector<16xf32>
        %jit3A_406 = arith.constant 0.000000e+00 : f32
        %broadcast_in_dim3A_407 = vector.broadcast %select_n3A_403 : f32 to vector<16xf32>
        %broadcast_in_dim3A_408 = vector.broadcast %jit3A_406 : f32 to vector<16xf32>
        %select_n3A_409 = arith.select %eq3A_405, %broadcast_in_dim3A_407, %broadcast_in_dim3A_408 : vector<16xi1>, vector<16xf32>
        %jit3A_410 = arith.constant 1.000000e+00 : f32
        %broadcast_in_dim3A_411 = vector.broadcast %jit3A_410 : f32 to vector<16xf32>
        %select_n3A_412 = arith.select %gt3A_404, %broadcast_in_dim3A_411, %select_n3A_409 : vector<16xi1>, vector<16xf32>
        %mul3A_413 = arith.mulf %select_n3A_412, %get3A_399 : vector<16xf32>
        %add3A_414 = arith.addf %add3A_392, %mul3A_413 : vector<16xf32>
        %add3A_415 = arith.addf %add3A_393, %select_n3A_412 : vector<16xf32>
        scf.yield %add3A_414, %add3A_415 : vector<16xf32>, vector<16xf32>
      }
      %scan3A_55 = arith.constant 256 : i32
      %swap3A = arith.index_cast %scan3A_45 : i32 to index
      %swap3A_56 = arith.constant 0 : index
      %swap3A_57 = tpu.vector_load %arg7[%swap3A, %swap3A_56] {strides = array<i32>} : memref<32x16xf32, #tpu.memory_space<vmem>>, vector<1x16xf32>,
      %swap3A_58 = vector.shape_cast %swap3A_57 : vector<1x16xf32> to vector<16xf32>
      %swap3A_59 = vector.shape_cast %scan3A_54#0 : vector<16xf32> to vector<1x16xf32>
      tpu.vector_store %arg7[%swap3A, %swap3A_56], %swap3A_59 {strides = array<i32>} : memref<32x16xf32, #tpu.memory_space<vmem>>, vector<1x16xf32>,
      %swap3A_60 = arith.index_cast %scan3A_45 : i32 to index
      %swap3A_61 = arith.constant 0 : index
      %swap3A_62 = tpu.vector_load %arg8[%swap3A_60, %swap3A_61] {strides = array<i32>} : memref<32x16xf32, #tpu.memory_space<vmem>>, vector<1x16xf32>,
      %swap3A_63 = vector.shape_cast %swap3A_62 : vector<1x16xf32> to vector<16xf32>
      %swap3A_64 = vector.shape_cast %scan3A_54#1 : vector<16xf32> to vector<1x16xf32>
      tpu.vector_store %arg8[%swap3A_60, %swap3A_61], %swap3A_64 {strides = array<i32>} : memref<32x16xf32, #tpu.memory_space<vmem>>, vector<1x16xf32>,
    }
    %scan3A_42 = arith.constant 32 : i32
    "tpu.region"() ({
      %run_scoped3A = tpu.sem_alloc : memref<!tpu.dma_semaphore, #tpu.memory_space<semaphore_mem>>
      %dma_start3A = arith.constant 0 : i32
      %dma_start3A_45 = tpu.memref_slice %arg4[%select_n3A, %mul3A_32, %dma_start3A] : memref<4x512x16xf32, #tpu.memory_space<hbm>> -> memref<1x32x16xf32, #tpu.memory_space<hbm>>
      %dma_start3A_46 = tpu.memref_squeeze %dma_start3A_45 : memref<1x32x16xf32, #tpu.memory_space<hbm>> -> memref<32x16xf32, #tpu.memory_space<hbm>>
      %dma_start3A_47 = arith.constant 0 : i32
      %dma_start3A_48 = tpu.memref_slice %arg4[%select_n3A, %mul3A_32, %dma_start3A_47] : memref<4x512x16xf32, #tpu.memory_space<hbm>> -> memref<1x32x16xf32, #tpu.memory_space<hbm>>
      %dma_start3A_49 = tpu.memref_squeeze %dma_start3A_48 : memref<1x32x16xf32, #tpu.memory_space<hbm>> -> memref<32x16xf32, #tpu.memory_space<hbm>>
      tpu.enqueue_dma source(%arg7 : memref<32x16xf32, #tpu.memory_space<vmem>>) target(%dma_start3A_49 : memref<32x16xf32, #tpu.memory_space<hbm>>) target_semaphore(%run_scoped3A : memref<!tpu.dma_semaphore, #tpu.memory_space<semaphore_mem>>)
      %dma_wait3A = arith.constant 0 : i32
      %dma_wait3A_50 = tpu.memref_slice %arg4[%select_n3A, %mul3A_32, %dma_wait3A] : memref<4x512x16xf32, #tpu.memory_space<hbm>> -> memref<1x32x16xf32, #tpu.memory_space<hbm>>
      %dma_wait3A_51 = tpu.memref_squeeze %dma_wait3A_50 : memref<1x32x16xf32, #tpu.memory_space<hbm>> -> memref<32x16xf32, #tpu.memory_space<hbm>>
      %dma_wait3A_52 = arith.constant 0 : i32
      %dma_wait3A_53 = tpu.memref_slice %arg4[%select_n3A, %mul3A_32, %dma_wait3A_52] : memref<4x512x16xf32, #tpu.memory_space<hbm>> -> memref<1x32x16xf32, #tpu.memory_space<hbm>>
      %dma_wait3A_54 = tpu.memref_squeeze %dma_wait3A_53 : memref<1x32x16xf32, #tpu.memory_space<hbm>> -> memref<32x16xf32, #tpu.memory_space<hbm>>
      tpu.wait_dma2 semaphore(%run_scoped3A : memref<!tpu.dma_semaphore, #tpu.memory_space<semaphore_mem>>) src(%arg7 : memref<32x16xf32, #tpu.memory_space<vmem>>) dst(%dma_wait3A_54 : memref<32x16xf32, #tpu.memory_space<hbm>>)
      tpu.yield
    }) : () -> ()
    %add3A_43 = arith.constant 256 : i32
    %add3A_44 = arith.addi %add3A_43, %mul3A_32 : i32
    "tpu.region"() ({
      %run_scoped3A = tpu.sem_alloc : memref<!tpu.dma_semaphore, #tpu.memory_space<semaphore_mem>>
      %dma_start3A = arith.constant 0 : i32
      %dma_start3A_45 = tpu.memref_slice %arg4[%select_n3A, %add3A_44, %dma_start3A] : memref<4x512x16xf32, #tpu.memory_space<hbm>> -> memref<1x32x16xf32, #tpu.memory_space<hbm>>
      %dma_start3A_46 = tpu.memref_squeeze %dma_start3A_45 : memref<1x32x16xf32, #tpu.memory_space<hbm>> -> memref<32x16xf32, #tpu.memory_space<hbm>>
      %dma_start3A_47 = arith.constant 0 : i32
      %dma_start3A_48 = tpu.memref_slice %arg4[%select_n3A, %add3A_44, %dma_start3A_47] : memref<4x512x16xf32, #tpu.memory_space<hbm>> -> memref<1x32x16xf32, #tpu.memory_space<hbm>>
      %dma_start3A_49 = tpu.memref_squeeze %dma_start3A_48 : memref<1x32x16xf32, #tpu.memory_space<hbm>> -> memref<32x16xf32, #tpu.memory_space<hbm>>
      tpu.enqueue_dma source(%arg8 : memref<32x16xf32, #tpu.memory_space<vmem>>) target(%dma_start3A_49 : memref<32x16xf32, #tpu.memory_space<hbm>>) target_semaphore(%run_scoped3A : memref<!tpu.dma_semaphore, #tpu.memory_space<semaphore_mem>>)
      %dma_wait3A = arith.constant 0 : i32
      %dma_wait3A_50 = tpu.memref_slice %arg4[%select_n3A, %add3A_44, %dma_wait3A] : memref<4x512x16xf32, #tpu.memory_space<hbm>> -> memref<1x32x16xf32, #tpu.memory_space<hbm>>
      %dma_wait3A_51 = tpu.memref_squeeze %dma_wait3A_50 : memref<1x32x16xf32, #tpu.memory_space<hbm>> -> memref<32x16xf32, #tpu.memory_space<hbm>>
      %dma_wait3A_52 = arith.constant 0 : i32
      %dma_wait3A_53 = tpu.memref_slice %arg4[%select_n3A, %add3A_44, %dma_wait3A_52] : memref<4x512x16xf32, #tpu.memory_space<hbm>> -> memref<1x32x16xf32, #tpu.memory_space<hbm>>
      %dma_wait3A_54 = tpu.memref_squeeze %dma_wait3A_53 : memref<1x32x16xf32, #tpu.memory_space<hbm>> -> memref<32x16xf32, #tpu.memory_space<hbm>>
      tpu.wait_dma2 semaphore(%run_scoped3A : memref<!tpu.dma_semaphore, #tpu.memory_space<semaphore_mem>>) src(%arg8 : memref<32x16xf32, #tpu.memory_space<vmem>>) dst(%dma_wait3A_54 : memref<32x16xf32, #tpu.memory_space<hbm>>)
      tpu.yield
    }) : () -> ()
    return
  }
}

module attributes {stable_mosaic.version = 14 : i64} {
  func.func @_mixer_kernel(%arg0: i32, %arg1: memref<1x1xf32, #tpu.memory_space<vmem>>, %arg2: memref<1x1xf32, #tpu.memory_space<vmem>>, %arg3: memref<4x256x126xf32, #tpu.memory_space<vmem>>, %arg4: memref<4x256x2xf32, #tpu.memory_space<vmem>>, %arg5: memref<4x1x512xf32, #tpu.memory_space<vmem>>, %arg6: memref<4x1x100xf32, #tpu.memory_space<vmem>>, %arg7: memref<3200x128xf32, #tpu.memory_space<vmem>>, %arg8: memref<1x3200xf32, #tpu.memory_space<vmem>>, %arg9: memref<4x1x100xf32, #tpu.memory_space<vmem>>, %arg10: memref<128x3200xf32, #tpu.memory_space<vmem>>, %arg11: memref<1x3200xf32, #tpu.memory_space<vmem>>, %arg12: memref<3200x128xf32, #tpu.memory_space<vmem>>) attributes {dimension_semantics = [#tpu.dimension_semantics<arbitrary>], iteration_bounds = array<i64: 16>, scalar_prefetch = 0 : i64, scratch_operands = 3 : i64, tpu.core_type = #tpu.core_type<tc>, window_params = [{pipeline_mode = #tpu.pipeline_mode<synchronous>, transform_indices = @transform_0, window_bounds = array<i64: 1, 1>}, {pipeline_mode = #tpu.pipeline_mode<synchronous>, transform_indices = @transform_1, window_bounds = array<i64: 1, 1>}, {transform_indices = @transform_2, window_bounds = array<i64: 4, 256, 126>}, {transform_indices = @transform_3, window_bounds = array<i64: 4, 256, 2>}, {transform_indices = @transform_4, window_bounds = array<i64: 4, 1, 512>}, {transform_indices = @transform_5, window_bounds = array<i64: 4, 1, 100>}, {pipeline_mode = #tpu.pipeline_mode<synchronous>, transform_indices = @transform_6, window_bounds = array<i64: 3200, 128>}, {pipeline_mode = #tpu.pipeline_mode<synchronous>, transform_indices = @transform_7, window_bounds = array<i64: 1, 3200>}, {transform_indices = @transform_8, window_bounds = array<i64: 4, 1, 100>}]} {
    %eq3A = arith.constant 0 : i32
    %eq3A_0 = arith.cmpi eq, %arg0, %eq3A : i32
    %convert_element_type3A = arith.extui %eq3A_0 : i1 to i32
    %cond3A = arith.constant 0 : i32
    %cond3A_1 = arith.cmpi ne, %convert_element_type3A, %cond3A : i32
    scf.if %cond3A_1 {
      %get3A_155 = arith.constant 0 : index
      %get3A_156 = arith.constant 0 : index
      %get3A_157 = vector.load %arg7[%get3A_155, %get3A_156] : memref<3200x128xf32, #tpu.memory_space<vmem>>, vector<3200x128xf32>
      %transpose3A = tpu.transpose %get3A_157, [1, 0] : vector<3200x128xf32> -> vector<128x3200xf32>
      %swap3A_158 = arith.constant 0 : index
      %swap3A_159 = arith.constant 0 : index
      %swap3A_160 = vector.load %arg10[%swap3A_158, %swap3A_159] : memref<128x3200xf32, #tpu.memory_space<vmem>>, vector<128x3200xf32>
      tpu.vector_store %arg10[%swap3A_158, %swap3A_159], %transpose3A {strides = array<i32>} : memref<128x3200xf32, #tpu.memory_space<vmem>>, vector<128x3200xf32>,
      %get3A_161 = arith.constant 0 : index
      %get3A_162 = arith.constant 0 : index
      %get3A_163 = vector.load %arg10[%get3A_161, %get3A_162] : memref<128x3200xf32, #tpu.memory_space<vmem>>, vector<128x3200xf32>
      %broadcast_in_dim3A_164 = arith.constant 1.000000e+00 : f32
      %broadcast_in_dim3A_165 = vector.broadcast %broadcast_in_dim3A_164 : f32 to vector<1x128xf32>
      %mul3A_166 = arith.mulf %get3A_163, %get3A_163 : vector<128x3200xf32>
      %dot_general3A_167 = arith.constant dense<0.000000e+00> : vector<1x3200xf32>
      %dot_general3A_168 = tpu.matmul %broadcast_in_dim3A_165, %mul3A_166, %dot_general3A_167 {dimension_numbers = #tpu.dot_dimension_numbers<[1], [0], [0], [1], [0, 0, 1, 1], [], []>, transpose_lhs_hint = false} : vector<1x128xf32>, vector<128x3200xf32>, vector<1x3200xf32> -> vector<1x3200xf32>
      %iota3A_169 = tpu.iota {dimensions = array<i32: 0>} : vector<3200x128xi32>
      %jit3A_170 = arith.constant 32 : i32
      %div3A_171 = vector.broadcast %jit3A_170 : i32 to vector<3200x128xi32>
      %div3A_172 = arith.divsi %iota3A_169, %div3A_171 : vector<3200x128xi32>
      %sign3A = arith.constant 0 : i32
      %sign3A_173 = vector.broadcast %sign3A : i32 to vector<3200x128xi32>
      %sign3A_174 = arith.cmpi sgt, %iota3A_169, %sign3A_173 : vector<3200x128xi32>
      %sign3A_175 = arith.extui %sign3A_174 : vector<3200x128xi1> to vector<3200x128xi32>
      %sign3A_176 = arith.constant 0 : i32
      %sign3A_177 = vector.broadcast %sign3A_176 : i32 to vector<3200x128xi32>
      %sign3A_178 = arith.cmpi slt, %iota3A_169, %sign3A_177 : vector<3200x128xi32>
      %sign3A_179 = arith.extui %sign3A_178 : vector<3200x128xi1> to vector<3200x128xi32>
      %sign3A_180 = arith.subi %sign3A_175, %sign3A_179 : vector<3200x128xi32>
      %sign3A_181 = arith.constant 0 : i32
      %sign3A_182 = arith.cmpi sgt, %jit3A_170, %sign3A_181 : i32
      %sign3A_183 = arith.extui %sign3A_182 : i1 to i32
      %sign3A_184 = arith.constant 0 : i32
      %sign3A_185 = arith.cmpi slt, %jit3A_170, %sign3A_184 : i32
      %sign3A_186 = arith.extui %sign3A_185 : i1 to i32
      %sign3A_187 = arith.subi %sign3A_183, %sign3A_186 : i32
      %ne3A = vector.broadcast %sign3A_187 : i32 to vector<3200x128xi32>
      %ne3A_188 = arith.cmpi ne, %sign3A_180, %ne3A : vector<3200x128xi32>
      %rem3A = vector.broadcast %jit3A_170 : i32 to vector<3200x128xi32>
      %rem3A_189 = arith.remsi %iota3A_169, %rem3A : vector<3200x128xi32>
      %ne3A_190 = arith.constant 0 : i32
      %ne3A_191 = vector.broadcast %ne3A_190 : i32 to vector<3200x128xi32>
      %ne3A_192 = arith.cmpi ne, %rem3A_189, %ne3A_191 : vector<3200x128xi32>
      %and3A = arith.andi %ne3A_188, %ne3A_192 : vector<3200x128xi1>
      %sub3A_193 = arith.constant 1 : i32
      %sub3A_194 = vector.broadcast %sub3A_193 : i32 to vector<3200x128xi32>
      %sub3A_195 = arith.subi %div3A_172, %sub3A_194 : vector<3200x128xi32>
      %select_n3A_196 = arith.select %and3A, %sub3A_195, %div3A_172 : vector<3200x128xi1>, vector<3200x128xi32>
      %iota3A_197 = tpu.iota {dimensions = array<i32: 1>} : vector<3200x128xi32>
      %eq3A_198 = arith.cmpi eq, %select_n3A_196, %iota3A_197 : vector<3200x128xi32>
      %convert_element_type3A_199 = arith.extui %eq3A_198 : vector<3200x128xi1> to vector<3200x128xi32>
      %convert_element_type3A_200 = arith.sitofp %convert_element_type3A_199 : vector<3200x128xi32> to vector<3200x128xf32>
      %swap3A_201 = arith.constant 0 : index
      %swap3A_202 = arith.constant 0 : index
      %swap3A_203 = vector.load %arg12[%swap3A_201, %swap3A_202] : memref<3200x128xf32, #tpu.memory_space<vmem>>, vector<3200x128xf32>
      tpu.vector_store %arg12[%swap3A_201, %swap3A_202], %convert_element_type3A_200 {strides = array<i32>} : memref<3200x128xf32, #tpu.memory_space<vmem>>, vector<3200x128xf32>,
      %get3A_204 = arith.constant 0 : index
      %get3A_205 = arith.constant 0 : index
      %get3A_206 = vector.load %arg8[%get3A_204, %get3A_205] : memref<1x3200xf32, #tpu.memory_space<vmem>>, vector<1x3200xf32>
      %reduce_max3A_207 = vector.shape_cast %get3A_206 : vector<1x3200xf32> to vector<1x1x3200xf32>
      %reduce_max3A_208 = arith.constant dense<0xFF800000> : vector<1xf32>
      %reduce_max3A_209 = vector.multi_reduction <maximumf>, %reduce_max3A_207, %reduce_max3A_208 [1, 2] : vector<1x1x3200xf32> to vector<1xf32>
      %reduce_max3A_210 = vector.shape_cast %reduce_max3A_209 : vector<1xf32> to vector<1x1x1xf32>
      %reduce_max3A_211 = vector.extract %reduce_max3A_210[0, 0, 0] : f32 from vector<1x1x1xf32>
      %sub3A_212 = vector.broadcast %reduce_max3A_211 : f32 to vector<1x3200xf32>
      %sub3A_213 = arith.subf %get3A_206, %sub3A_212 : vector<1x3200xf32>
      %exp3A = math.exp %sub3A_213 : vector<1x3200xf32>
      %dot_general3A_214 = arith.constant dense<0.000000e+00> : vector<1x128xf32>
      %dot_general3A_215 = tpu.matmul %exp3A, %convert_element_type3A_200, %dot_general3A_214 {dimension_numbers = #tpu.dot_dimension_numbers<[1], [0], [0], [1], [0, 0, 1, 1], [], []>, transpose_lhs_hint = false} : vector<1x3200xf32>, vector<3200x128xf32>, vector<1x128xf32> -> vector<1x128xf32>
      %dot_general3A_216 = arith.constant dense<0.000000e+00> : vector<1x3200xf32>
      %dot_general3A_217 = tpu.matmul %dot_general3A_215, %convert_element_type3A_200, %dot_general3A_216 {dimension_numbers = #tpu.dot_dimension_numbers<[1], [1], [0], [0], [0, 0, 1, 0], [], []>, transpose_lhs_hint = false} : vector<1x128xf32>, vector<3200x128xf32>, vector<1x3200xf32> -> vector<1x3200xf32>
      %sub3A_218 = vector.broadcast %reduce_max3A_211 : f32 to vector<1x3200xf32>
      %sub3A_219 = arith.subf %get3A_206, %sub3A_218 : vector<1x3200xf32>
      %log3A = math.log %dot_general3A_217 : vector<1x3200xf32>
      %sub3A_220 = arith.subf %sub3A_219, %log3A : vector<1x3200xf32>
      %mul3A_221 = arith.constant 5.000000e+00 : f32
      %mul3A_222 = vector.broadcast %mul3A_221 : f32 to vector<1x3200xf32>
      %mul3A_223 = arith.mulf %mul3A_222, %dot_general3A_168 : vector<1x3200xf32>
      %sub3A_224 = arith.subf %sub3A_220, %mul3A_223 : vector<1x3200xf32>
      %mul3A_225 = arith.constant 1.44269502 : f32
      %mul3A_226 = vector.broadcast %mul3A_225 : f32 to vector<1x3200xf32>
      %mul3A_227 = arith.mulf %mul3A_226, %sub3A_224 : vector<1x3200xf32>
      %swap3A_228 = arith.constant 0 : index
      %swap3A_229 = arith.constant 0 : index
      %swap3A_230 = vector.load %arg11[%swap3A_228, %swap3A_229] : memref<1x3200xf32, #tpu.memory_space<vmem>>, vector<1x3200xf32>
      tpu.vector_store %arg11[%swap3A_228, %swap3A_229], %mul3A_227 {strides = array<i32>} : memref<1x3200xf32, #tpu.memory_space<vmem>>, vector<1x3200xf32>,
    } else {
    }
    %get3A = arith.constant 0 : index
    %get3A_2 = arith.constant 0 : index
    %get3A_3 = arith.constant 0 : index
    %get3A_4 = vector.load %arg3[%get3A, %get3A_2, %get3A_3] : memref<4x256x126xf32, #tpu.memory_space<vmem>>, vector<4x256x126xf32>
    %reshape3A = vector.shape_cast %get3A_4 : vector<4x256x126xf32> to vector<1024x126xf32>
    %get3A_5 = arith.constant 0 : index
    %get3A_6 = arith.constant 0 : index
    %get3A_7 = arith.constant 0 : index
    %get3A_8 = vector.load %arg4[%get3A_5, %get3A_6, %get3A_7] : memref<4x256x2xf32, #tpu.memory_space<vmem>>, vector<4x256x2xf32>
    %reshape3A_9 = vector.shape_cast %get3A_8 : vector<4x256x2xf32> to vector<1024x2xf32>
    %concatenate3A = tpu.concatenate %reshape3A, %reshape3A_9 in 1 : vector<1024x126xf32>, vector<1024x2xf32> -> vector<1024x128xf32>
    %mul3A = arith.mulf %concatenate3A, %concatenate3A : vector<1024x128xf32>
    %iota3A = tpu.iota {dimensions = array<i32: 1>} : vector<1024x128xi32>
    %lt3A = arith.constant 126 : i32
    %lt3A_10 = vector.broadcast %lt3A : i32 to vector<1024x128xi32>
    %lt3A_11 = arith.cmpi slt, %iota3A, %lt3A_10 : vector<1024x128xi32>
    %jit3A = arith.constant 0.000000e+00 : f32
    %broadcast_in_dim3A = vector.broadcast %jit3A : f32 to vector<1024x128xf32>
    %select_n3A = arith.select %lt3A_11, %mul3A, %broadcast_in_dim3A : vector<1024x128xi1>, vector<1024x128xf32>
    %reduce_sum3A = arith.constant dense<0.000000e+00> : vector<1024xf32>
    %reduce_sum3A_12 = vector.multi_reduction <add>, %select_n3A, %reduce_sum3A [1] : vector<1024x128xf32> to vector<1024xf32>
    %broadcast_in_dim3A_13 = vector.shape_cast %reduce_sum3A_12 : vector<1024xf32> to vector<1024x1xf32>
    %sqrt3A = math.sqrt %broadcast_in_dim3A_13 : vector<1024x1xf32>
    %jit3A_14 = arith.constant 0.000000e+00 : f32
    %broadcast_in_dim3A_15 = vector.broadcast %jit3A_14 : f32 to vector<1024x128xf32>
    %select_n3A_16 = arith.select %lt3A_11, %broadcast_in_dim3A_15, %mul3A : vector<1024x128xi1>, vector<1024x128xf32>
    %reduce_sum3A_17 = arith.constant dense<0.000000e+00> : vector<1024xf32>
    %reduce_sum3A_18 = vector.multi_reduction <add>, %select_n3A_16, %reduce_sum3A_17 [1] : vector<1024x128xf32> to vector<1024xf32>
    %broadcast_in_dim3A_19 = vector.shape_cast %reduce_sum3A_18 : vector<1024xf32> to vector<1024x1xf32>
    %sqrt3A_20 = math.sqrt %broadcast_in_dim3A_19 : vector<1024x1xf32>
    %max3A = arith.constant 9.99999996E-13 : f32
    %max3A_21 = vector.broadcast %max3A : f32 to vector<1024x1xf32>
    %max3A_22 = arith.maximumf %sqrt3A, %max3A_21 : vector<1024x1xf32>
    %div3A = arith.constant 1.000000e+00 : f32
    %div3A_23 = vector.broadcast %div3A : f32 to vector<1024x1xf32>
    %div3A_24 = arith.divf %div3A_23, %max3A_22 : vector<1024x1xf32>
    %max3A_25 = arith.constant 9.99999996E-13 : f32
    %max3A_26 = vector.broadcast %max3A_25 : f32 to vector<1024x1xf32>
    %max3A_27 = arith.maximumf %sqrt3A_20, %max3A_26 : vector<1024x1xf32>
    %div3A_28 = arith.constant 5.000000e-01 : f32
    %div3A_29 = vector.broadcast %div3A_28 : f32 to vector<1024x1xf32>
    %div3A_30 = arith.divf %div3A_29, %max3A_27 : vector<1024x1xf32>
    %broadcast_in_dim3A_31 = vector.shape_cast %div3A_24 : vector<1024x1xf32> to vector<1024x1xf32>
    %broadcast_in_dim3A_32 = vector.broadcast %broadcast_in_dim3A_31 : vector<1024x1xf32> to vector<1024x128xf32>
    %broadcast_in_dim3A_33 = vector.shape_cast %div3A_30 : vector<1024x1xf32> to vector<1024x1xf32>
    %broadcast_in_dim3A_34 = vector.broadcast %broadcast_in_dim3A_33 : vector<1024x1xf32> to vector<1024x128xf32>
    %select_n3A_35 = arith.select %lt3A_11, %broadcast_in_dim3A_32, %broadcast_in_dim3A_34 : vector<1024x128xi1>, vector<1024x128xf32>
    %mul3A_36 = arith.mulf %concatenate3A, %select_n3A_35 : vector<1024x128xf32>
    %mul3A_37 = arith.mulf %mul3A_36, %mul3A_36 : vector<1024x128xf32>
    %get3A_38 = arith.constant 0 : index
    %get3A_39 = arith.constant 0 : index
    %get3A_40 = arith.constant 0 : index
    %get3A_41 = vector.load %arg5[%get3A_38, %get3A_39, %get3A_40] : memref<4x1x512xf32, #tpu.memory_space<vmem>>, vector<4x1x512xf32>
    %reshape3A_42 = vector.shape_cast %get3A_41 : vector<4x1x512xf32> to vector<4x512xf32>
    %slice3A = vector.extract_strided_slice %reshape3A_42 {offsets = [0, 0], sizes = [4, 256], strides = [1, 1]} : vector<4x512xf32> to vector<4x256xf32>
    %slice3A_43 = vector.extract_strided_slice %reshape3A_42 {offsets = [0, 256], sizes = [4, 256], strides = [1, 1]} : vector<4x512xf32> to vector<4x256xf32>
    %reduce_max3A = arith.constant dense<0xFF800000> : vector<4xf32>
    %reduce_max3A_44 = vector.multi_reduction <maximumf>, %slice3A, %reduce_max3A [1] : vector<4x256xf32> to vector<4xf32>
    %broadcast_in_dim3A_45 = vector.shape_cast %reduce_max3A_44 : vector<4xf32> to vector<4x1xf32>
    %get3A_46 = arith.constant 0 : index
    %get3A_47 = arith.constant 0 : index
    %get3A_48 = vector.load %arg1[%get3A_46, %get3A_47] : memref<1x1xf32, #tpu.memory_space<vmem>>, vector<1x1xf32>
    %get3A_49 = vector.extract %get3A_48[0, 0] : f32 from vector<1x1xf32>
    %add3A = arith.constant 9.99999993E-9 : f32
    %add3A_50 = vector.broadcast %add3A : f32 to vector<4x1xf32>
    %add3A_51 = arith.addf %broadcast_in_dim3A_45, %add3A_50 : vector<4x1xf32>
    %mul3A_52 = vector.broadcast %get3A_49 : f32 to vector<4x1xf32>
    %mul3A_53 = arith.mulf %mul3A_52, %add3A_51 : vector<4x1xf32>
    %le3A = vector.broadcast %mul3A_53 : vector<4x1xf32> to vector<4x256xf32>
    %le3A_54 = arith.cmpf ole, %slice3A, %le3A : vector<4x256xf32>
    %jit3A_55 = arith.constant 1.000000e+00 : f32
    %jit3A_56 = arith.constant 0.000000e+00 : f32
    %broadcast_in_dim3A_57 = vector.broadcast %jit3A_55 : f32 to vector<4x256xf32>
    %broadcast_in_dim3A_58 = vector.broadcast %jit3A_56 : f32 to vector<4x256xf32>
    %select_n3A_59 = arith.select %le3A_54, %broadcast_in_dim3A_57, %broadcast_in_dim3A_58 : vector<4x256xi1>, vector<4x256xf32>
    %reduce_sum3A_60 = arith.constant dense<0.000000e+00> : vector<4xf32>
    %reduce_sum3A_61 = vector.multi_reduction <add>, %select_n3A_59, %reduce_sum3A_60 [1] : vector<4x256xf32> to vector<4xf32>
    %broadcast_in_dim3A_62 = vector.shape_cast %reduce_sum3A_61 : vector<4xf32> to vector<4x1xf32>
    %max3A_63 = arith.constant 1.000000e+00 : f32
    %max3A_64 = vector.broadcast %max3A_63 : f32 to vector<4x1xf32>
    %max3A_65 = arith.maximumf %broadcast_in_dim3A_62, %max3A_64 : vector<4x1xf32>
    %le3A_66 = vector.broadcast %max3A_65 : vector<4x1xf32> to vector<4x256xf32>
    %le3A_67 = arith.cmpf ole, %slice3A_43, %le3A_66 : vector<4x256xf32>
    %div3A_68 = arith.constant 1.000000e+00 : f32
    %div3A_69 = vector.broadcast %div3A_68 : f32 to vector<4x1xf32>
    %div3A_70 = arith.divf %div3A_69, %max3A_65 : vector<4x1xf32>
    %jit3A_71 = arith.constant 0.000000e+00 : f32
    %broadcast_in_dim3A_72 = vector.shape_cast %div3A_70 : vector<4x1xf32> to vector<4x1xf32>
    %broadcast_in_dim3A_73 = vector.broadcast %broadcast_in_dim3A_72 : vector<4x1xf32> to vector<4x256xf32>
    %broadcast_in_dim3A_74 = vector.broadcast %jit3A_71 : f32 to vector<4x256xf32>
    %select_n3A_75 = arith.select %le3A_67, %broadcast_in_dim3A_73, %broadcast_in_dim3A_74 : vector<4x256xi1>, vector<4x256xf32>
    %broadcast_in_dim3A_76 = arith.constant 1.000000e+00 : f32
    %broadcast_in_dim3A_77 = vector.broadcast %broadcast_in_dim3A_76 : f32 to vector<1x128xf32>
    %slice3A_78 = vector.extract_strided_slice %mul3A_37 {offsets = [0, 0], sizes = [256, 128], strides = [1, 1]} : vector<1024x128xf32> to vector<256x128xf32>
    %dot_general3A = arith.constant dense<0.000000e+00> : vector<1x256xf32>
    %dot_general3A_79 = tpu.matmul %broadcast_in_dim3A_77, %slice3A_78, %dot_general3A {dimension_numbers = #tpu.dot_dimension_numbers<[1], [1], [0], [0], [0, 0, 1, 0], [], []>, transpose_lhs_hint = false} : vector<1x128xf32>, vector<256x128xf32>, vector<1x256xf32> -> vector<1x256xf32>
    %slice3A_80 = vector.extract_strided_slice %mul3A_37 {offsets = [256, 0], sizes = [256, 128], strides = [1, 1]} : vector<1024x128xf32> to vector<256x128xf32>
    %dot_general3A_81 = arith.constant dense<0.000000e+00> : vector<1x256xf32>
    %dot_general3A_82 = tpu.matmul %broadcast_in_dim3A_77, %slice3A_80, %dot_general3A_81 {dimension_numbers = #tpu.dot_dimension_numbers<[1], [1], [0], [0], [0, 0, 1, 0], [], []>, transpose_lhs_hint = false} : vector<1x128xf32>, vector<256x128xf32>, vector<1x256xf32> -> vector<1x256xf32>
    %slice3A_83 = vector.extract_strided_slice %mul3A_37 {offsets = [512, 0], sizes = [256, 128], strides = [1, 1]} : vector<1024x128xf32> to vector<256x128xf32>
    %dot_general3A_84 = arith.constant dense<0.000000e+00> : vector<1x256xf32>
    %dot_general3A_85 = tpu.matmul %broadcast_in_dim3A_77, %slice3A_83, %dot_general3A_84 {dimension_numbers = #tpu.dot_dimension_numbers<[1], [1], [0], [0], [0, 0, 1, 0], [], []>, transpose_lhs_hint = false} : vector<1x128xf32>, vector<256x128xf32>, vector<1x256xf32> -> vector<1x256xf32>
    %slice3A_86 = vector.extract_strided_slice %mul3A_37 {offsets = [768, 0], sizes = [256, 128], strides = [1, 1]} : vector<1024x128xf32> to vector<256x128xf32>
    %dot_general3A_87 = arith.constant dense<0.000000e+00> : vector<1x256xf32>
    %dot_general3A_88 = tpu.matmul %broadcast_in_dim3A_77, %slice3A_86, %dot_general3A_87 {dimension_numbers = #tpu.dot_dimension_numbers<[1], [1], [0], [0], [0, 0, 1, 0], [], []>, transpose_lhs_hint = false} : vector<1x128xf32>, vector<256x128xf32>, vector<1x256xf32> -> vector<1x256xf32>
    %concatenate3A_89 = tpu.concatenate %dot_general3A_79, %dot_general3A_82, %dot_general3A_85, %dot_general3A_88 in 0 : vector<1x256xf32>, vector<1x256xf32>, vector<1x256xf32>, vector<1x256xf32> -> vector<4x256xf32>
    %mul3A_90 = arith.constant -7.21347522 : f32
    %mul3A_91 = vector.broadcast %mul3A_90 : f32 to vector<4x256xf32>
    %mul3A_92 = arith.mulf %mul3A_91, %concatenate3A_89 : vector<4x256xf32>
    %exp23A = math.exp2 %mul3A_92 : vector<4x256xf32>
    %mul3A_93 = arith.mulf %select_n3A_75, %exp23A : vector<4x256xf32>
    %mul3A_94 = arith.constant 14.4269505 : f32
    %mul3A_95 = vector.broadcast %mul3A_94 : f32 to vector<1024x128xf32>
    %mul3A_96 = arith.mulf %mul3A_36, %mul3A_95 : vector<1024x128xf32>
    %get3A_97 = arith.constant 0 : index
    %get3A_98 = arith.constant 0 : index
    %get3A_99 = vector.load %arg10[%get3A_97, %get3A_98] : memref<128x3200xf32, #tpu.memory_space<vmem>>, vector<128x3200xf32>
    %dot_general3A_100 = arith.constant dense<0.000000e+00> : vector<1024x3200xf32>
    %dot_general3A_101 = tpu.matmul %mul3A_96, %get3A_99, %dot_general3A_100 {dimension_numbers = #tpu.dot_dimension_numbers<[1], [0], [0], [1], [0, 0, 1, 1], [], []>, transpose_lhs_hint = false} : vector<1024x128xf32>, vector<128x3200xf32>, vector<1024x3200xf32> -> vector<1024x3200xf32>
    %get3A_102 = arith.constant 0 : index
    %get3A_103 = arith.constant 0 : index
    %get3A_104 = vector.load %arg11[%get3A_102, %get3A_103] : memref<1x3200xf32, #tpu.memory_space<vmem>>, vector<1x3200xf32>
    %add3A_105 = vector.broadcast %get3A_104 : vector<1x3200xf32> to vector<1024x3200xf32>
    %add3A_106 = arith.addf %dot_general3A_101, %add3A_105 : vector<1024x3200xf32>
    %exp23A_107 = math.exp2 %add3A_106 : vector<1024x3200xf32>
    %convert_element_type3A_108 = arith.truncf %exp23A_107 : vector<1024x3200xf32> to vector<1024x3200xbf16>
    %convert_element_type3A_109 = arith.truncf %mul3A_93 : vector<4x256xf32> to vector<4x256xbf16>
    %slice3A_110 = vector.extract_strided_slice %convert_element_type3A_109 {offsets = [0, 0], sizes = [1, 256], strides = [1, 1]} : vector<4x256xbf16> to vector<1x256xbf16>
    %slice3A_111 = vector.extract_strided_slice %convert_element_type3A_108 {offsets = [0, 0], sizes = [256, 3200], strides = [1, 1]} : vector<1024x3200xbf16> to vector<256x3200xbf16>
    %dot_general3A_112 = arith.constant dense<0.000000e+00> : vector<1x3200xf32>
    %dot_general3A_113 = tpu.matmul %slice3A_110, %slice3A_111, %dot_general3A_112 {dimension_numbers = #tpu.dot_dimension_numbers<[1], [0], [0], [1], [0, 0, 1, 1], [], []>, transpose_lhs_hint = false} : vector<1x256xbf16>, vector<256x3200xbf16>, vector<1x3200xf32> -> vector<1x3200xf32>
    %slice3A_114 = vector.extract_strided_slice %convert_element_type3A_109 {offsets = [1, 0], sizes = [1, 256], strides = [1, 1]} : vector<4x256xbf16> to vector<1x256xbf16>
    %slice3A_115 = vector.extract_strided_slice %convert_element_type3A_108 {offsets = [256, 0], sizes = [256, 3200], strides = [1, 1]} : vector<1024x3200xbf16> to vector<256x3200xbf16>
    %dot_general3A_116 = arith.constant dense<0.000000e+00> : vector<1x3200xf32>
    %dot_general3A_117 = tpu.matmul %slice3A_114, %slice3A_115, %dot_general3A_116 {dimension_numbers = #tpu.dot_dimension_numbers<[1], [0], [0], [1], [0, 0, 1, 1], [], []>, transpose_lhs_hint = false} : vector<1x256xbf16>, vector<256x3200xbf16>, vector<1x3200xf32> -> vector<1x3200xf32>
    %slice3A_118 = vector.extract_strided_slice %convert_element_type3A_109 {offsets = [2, 0], sizes = [1, 256], strides = [1, 1]} : vector<4x256xbf16> to vector<1x256xbf16>
    %slice3A_119 = vector.extract_strided_slice %convert_element_type3A_108 {offsets = [512, 0], sizes = [256, 3200], strides = [1, 1]} : vector<1024x3200xbf16> to vector<256x3200xbf16>
    %dot_general3A_120 = arith.constant dense<0.000000e+00> : vector<1x3200xf32>
    %dot_general3A_121 = tpu.matmul %slice3A_118, %slice3A_119, %dot_general3A_120 {dimension_numbers = #tpu.dot_dimension_numbers<[1], [0], [0], [1], [0, 0, 1, 1], [], []>, transpose_lhs_hint = false} : vector<1x256xbf16>, vector<256x3200xbf16>, vector<1x3200xf32> -> vector<1x3200xf32>
    %slice3A_122 = vector.extract_strided_slice %convert_element_type3A_109 {offsets = [3, 0], sizes = [1, 256], strides = [1, 1]} : vector<4x256xbf16> to vector<1x256xbf16>
    %slice3A_123 = vector.extract_strided_slice %convert_element_type3A_108 {offsets = [768, 0], sizes = [256, 3200], strides = [1, 1]} : vector<1024x3200xbf16> to vector<256x3200xbf16>
    %dot_general3A_124 = arith.constant dense<0.000000e+00> : vector<1x3200xf32>
    %dot_general3A_125 = tpu.matmul %slice3A_122, %slice3A_123, %dot_general3A_124 {dimension_numbers = #tpu.dot_dimension_numbers<[1], [0], [0], [1], [0, 0, 1, 1], [], []>, transpose_lhs_hint = false} : vector<1x256xbf16>, vector<256x3200xbf16>, vector<1x3200xf32> -> vector<1x3200xf32>
    %concatenate3A_126 = tpu.concatenate %dot_general3A_113, %dot_general3A_117, %dot_general3A_121, %dot_general3A_125 in 0 : vector<1x3200xf32>, vector<1x3200xf32>, vector<1x3200xf32>, vector<1x3200xf32> -> vector<4x3200xf32>
    %get3A_127 = arith.constant 0 : index
    %get3A_128 = arith.constant 0 : index
    %get3A_129 = vector.load %arg12[%get3A_127, %get3A_128] : memref<3200x128xf32, #tpu.memory_space<vmem>>, vector<3200x128xf32>
    %dot_general3A_130 = arith.constant dense<0.000000e+00> : vector<4x128xf32>
    %dot_general3A_131 = tpu.matmul %concatenate3A_126, %get3A_129, %dot_general3A_130 {dimension_numbers = #tpu.dot_dimension_numbers<[1], [0], [0], [1], [0, 0, 1, 1], [], []>, transpose_lhs_hint = false} : vector<4x3200xf32>, vector<3200x128xf32>, vector<4x128xf32> -> vector<4x128xf32>
    %get3A_132 = arith.constant 0 : index
    %get3A_133 = arith.constant 0 : index
    %get3A_134 = vector.load %arg2[%get3A_132, %get3A_133] : memref<1x1xf32, #tpu.memory_space<vmem>>, vector<1x1xf32>
    %get3A_135 = vector.extract %get3A_134[0, 0] : f32 from vector<1x1xf32>
    %logistic3A = arith.negf %get3A_135 : f32
    %logistic3A_136 = math.exp %logistic3A : f32
    %logistic3A_137 = arith.constant 1.000000e+00 : f32
    %logistic3A_138 = arith.addf %logistic3A_137, %logistic3A_136 : f32
    %logistic3A_139 = arith.divf %logistic3A_137, %logistic3A_138 : f32
    %get3A_140 = arith.constant 0 : index
    %get3A_141 = arith.constant 0 : index
    %get3A_142 = arith.constant 0 : index
    %get3A_143 = vector.load %arg6[%get3A_140, %get3A_141, %get3A_142] : memref<4x1x100xf32, #tpu.memory_space<vmem>>, vector<4x1x100xf32>
    %mul3A_144 = vector.broadcast %logistic3A_139 : f32 to vector<4x1x100xf32>
    %mul3A_145 = arith.mulf %mul3A_144, %get3A_143 : vector<4x1x100xf32>
    %sub3A = arith.constant 1.000000e+00 : f32
    %sub3A_146 = arith.subf %sub3A, %logistic3A_139 : f32
    %slice3A_147 = vector.extract_strided_slice %dot_general3A_131 {offsets = [0, 0], sizes = [4, 100], strides = [1, 1]} : vector<4x128xf32> to vector<4x100xf32>
    %reshape3A_148 = vector.shape_cast %slice3A_147 : vector<4x100xf32> to vector<4x1x100xf32>
    %mul3A_149 = vector.broadcast %sub3A_146 : f32 to vector<4x1x100xf32>
    %mul3A_150 = arith.mulf %mul3A_149, %reshape3A_148 : vector<4x1x100xf32>
    %add3A_151 = arith.addf %mul3A_145, %mul3A_150 : vector<4x1x100xf32>
    %swap3A = arith.constant 0 : index
    %swap3A_152 = arith.constant 0 : index
    %swap3A_153 = arith.constant 0 : index
    %swap3A_154 = vector.load %arg9[%swap3A, %swap3A_152, %swap3A_153] : memref<4x1x100xf32, #tpu.memory_space<vmem>>, vector<4x1x100xf32>
    tpu.vector_store %arg9[%swap3A, %swap3A_152, %swap3A_153], %add3A_151 {strides = array<i32>} : memref<4x1x100xf32, #tpu.memory_space<vmem>>, vector<4x1x100xf32>,
    return
  }
  func.func @transform_0(%arg0: i32) -> (i32, i32) {
    %c0_i32 = arith.constant 0 : i32
    %c0_i32_0 = arith.constant 0 : i32
    %c0_i32_1 = arith.constant 0 : i32
    return %c0_i32, %c0_i32_0 : i32, i32
  }
  func.func @transform_1(%arg0: i32) -> (i32, i32) {
    %c0_i32 = arith.constant 0 : i32
    %c0_i32_0 = arith.constant 0 : i32
    %c0_i32_1 = arith.constant 0 : i32
    return %c0_i32, %c0_i32_0 : i32, i32
  }
  func.func @transform_2(%arg0: i32) -> (i32, i32, i32) {
    %c0_i32 = arith.constant 0 : i32
    %c0_i32_0 = arith.constant 0 : i32
    %c0_i32_1 = arith.constant 0 : i32
    return %arg0, %c0_i32, %c0_i32_0 : i32, i32, i32
  }
  func.func @transform_3(%arg0: i32) -> (i32, i32, i32) {
    %c0_i32 = arith.constant 0 : i32
    %c0_i32_0 = arith.constant 0 : i32
    %c0_i32_1 = arith.constant 0 : i32
    return %arg0, %c0_i32, %c0_i32_0 : i32, i32, i32
  }
  func.func @transform_4(%arg0: i32) -> (i32, i32, i32) {
    %c0_i32 = arith.constant 0 : i32
    %c0_i32_0 = arith.constant 0 : i32
    %c0_i32_1 = arith.constant 0 : i32
    return %arg0, %c0_i32, %c0_i32_0 : i32, i32, i32
  }
  func.func @transform_5(%arg0: i32) -> (i32, i32, i32) {
    %c0_i32 = arith.constant 0 : i32
    %c0_i32_0 = arith.constant 0 : i32
    %c0_i32_1 = arith.constant 0 : i32
    return %arg0, %c0_i32, %c0_i32_0 : i32, i32, i32
  }
  func.func @transform_6(%arg0: i32) -> (i32, i32) {
    %c0_i32 = arith.constant 0 : i32
    %c0_i32_0 = arith.constant 0 : i32
    %c0_i32_1 = arith.constant 0 : i32
    return %c0_i32, %c0_i32_0 : i32, i32
  }
  func.func @transform_7(%arg0: i32) -> (i32, i32) {
    %c0_i32 = arith.constant 0 : i32
    %c0_i32_0 = arith.constant 0 : i32
    %c0_i32_1 = arith.constant 0 : i32
    return %c0_i32, %c0_i32_0 : i32, i32
  }
  func.func @transform_8(%arg0: i32) -> (i32, i32, i32) {
    %c0_i32 = arith.constant 0 : i32
    %c0_i32_0 = arith.constant 0 : i32
    %c0_i32_1 = arith.constant 0 : i32
    return %arg0, %c0_i32, %c0_i32_0 : i32, i32, i32
  }
}

</mosaic_0001>

<sc_bundles>
// kernel: kernel.4.cloned.1.call-start
scs
__scs_entry_jumppad:
0x0: {  	(pc) =	sbr.rel $0x88, $3  }
0x1: {  	(tag) =	ssettag $0x0;
	lr =	simm.s32 $0x1  }
0x2: {  	[smem:$0x3F98] =	sst lr;
	_ =	strace $0xD0000000  }
0x3: {  	_ = 	snop  }
0x4: {  	_ = 	snop  }
0x5: {  	_ = 	snop  }
0x6: {  	_ = 	snop  }
0x7: {  	_ = 	snop  }
__scs_overlays_trampoline_lowered:
0x8: {  	[smem:$0x3FA7] =	sst s0  }
0x9: {  	[smem:$0x3FA8] =	sst s1  }
0xa: {  	[smem:$0x3FA9] =	sst s2  }
0xb: {  	[smem:$0x3FAA] =	sst s3  }
0xc: {  	[smem:$0x3FAB] =	sst s4  }
0xd: {  	[smem:$0x3FAC] =	sst s5  }
0xe: {  	[smem:$0x3FAD] =	sst s6  }
0xf: {  	[smem:$0x3FAE] =	sst s7  }
0x10: {  	[smem:$0x3FAF] =	sst s8  }
0x11: {  	[smem:$0x3FB0] =	sst s9;
	s0 =	simm.s32 @!p0 $0x0  }
0x12: {  	s1 =	sld [smem:$0x3F96];
	s0 =	simm.s32 @p0 $0x1  }
0x13: {  	[smem:$0x3FB1] =	sst s0;
	s0 =	simm.s32 @!p1 $0x0  }
0x14: {  	s2 =	sld [smem:$0x3F95];
	s0 =	simm.s32 @p1 $0x1  }
0x15: {  	[smem:$0x3FB2] =	sst s0;
	s0 =	simm.s32 @!p2 $0x0  }
0x16: {  	s3 =	sld [smem:$0x3FDB];
	s0 =	simm.s32 @p2 $0x1  }
0x17: {  	s4 =	simm.s32 $0x1BF5;
	[smem:$0x3FB4] =	sst s0  }
0x18: {  	s0 =	sld [smem:$0x3F97];
	_ =	swait.ge [sflag:s4], $0x0  }
0x19: {  	s7 =	sld [smem:$0x3F98]  }
0x1a: {  	s8 =	sadd.s32 $0xFFFFE003, lr  }
0x1b: {  	s9 =	sadd.s32 $0xFFFFFEF7, lr;
	s5 =	simm.s32 $0xFFFFFFFF;
	p2 =	slt.u32 s8, $0xFFFFF086  }
0x1c: {  	p1 =	slt.u32 s9, $0xF7A;
	s5 =	simm.s32 @!p2 $0x0  }
0x1d: {  	s5 =	simm.s32 @p1 $0x1;
	p0 =	seq.s32 s7, s2  }
0x1e: {  	s7 =	smul.u32 @!p0 $0xF7A, s2;
	p2 =	seq.s32 @!p0 s5, $0x0  }
0x1f: {  	s9 =	smul.u32 $0xF7A, s1;
	s8 =	simm.s32 @!p0 $0x1BF5;
	p2 =	por !p2, p0  }
0x20: {  	[sflag:s8] =	ssyncset.s32 @!p0 $0xFFFFF086;
	s6 =	sadd.s32 @!p0 s3, s7;
	s7 =	simm.s32 @!p0 $0x108  }
0x21: {  	s3 =	sadd.s32 s3, s9;
	s6 =	sadd.s32 @!p0 $0x88, s6;
	s7 =	simm.s32 @p2 $0x1082  }
0x22: {  	[simem:s7], [sflag:s8] =	dma.local @!p0 [hbm:s6], $0xF7A  }
0x23: {  	s9 =	sor.u32 $0xD0000000, s2;
	s6 =	simm.s32 $0x108;
	_ =	swait.ge @!p0 [sflag:s8], $0x0  }
0x24: {  	s3 =	sadd.s32 $0x88, s3;
	s6 =	simm.s32 @!p1 $0x1082;
	[sflag:s4] =	ssyncset.s32 $0xFFFFF086  }
0x25: {  	[simem:s6], [sflag:s4] =	dma.local [hbm:s3], $0xF7A  }
0x26: {  	[smem:$0x3F98] =	sst s1;
	(tag) =	ssettag s2;
	_ =	strace s9  }
0x27: {  	s1 =	sld [smem:$0x3FA8]  }
0x28: {  	s2 =	sld [smem:$0x3FA9]  }
0x29: {  	s4 =	sld [smem:$0x3FAB]  }
0x2a: {  	p0 =	seq.s32 s5, $0x0;
	s5 =	sld [smem:$0x3FAC]  }
0x2b: {  	s6 =	sld [smem:$0x3FAD]  }
0x2c: {  	s7 =	sld [smem:$0x3FAE]  }
0x2d: {  	s3 =	simm.s32 $0x108;
	s8 =	sld [smem:$0x3FAF]  }
0x2e: {  	s3 =	simm.s32 @!p0 $0x1082;
	s9 =	sld [smem:$0x3FB0]  }
0x2f: {  	lr =	sadd.s32 s0, s3;
	s0 =	sld [smem:$0x3FA7]  }
0x30: {  	s3 =	sld [smem:$0x3FAA]  }
0x31: {  	[smem:$0x3FB3] =	sst s10  }
0x32: {  	s10 =	sld [smem:$0x3FB1];
	_ =	sdelay $0x3  }
0x33: {  	p0 =	seq.s32 s10, $0x1;
	s10 =	sld [smem:$0x3FB3];
	_ =	sdelay $0x3  }
0x34: {  	[smem:$0x3FB3] =	sst s10  }
0x35: {  	s10 =	sld [smem:$0x3FB2];
	_ =	sdelay $0x3  }
0x36: {  	p1 =	seq.s32 s10, $0x1;
	s10 =	sld [smem:$0x3FB3];
	_ =	sdelay $0x3  }
0x37: {  	[smem:$0x3FB3] =	sst s10  }
0x38: {  	s10 =	sld [smem:$0x3FB4]  }
0x39: {  	_ = 	snop;
	(pc) =	sbr.ind lr, $3  }
0x3a: {  	_ = 	snop  }
0x3b: {  	_ = 	snop  }
0x3c: {  	p2 =	seq.s32 s10, $0x1;
	s10 =	sld [smem:$0x3FB3]  }
0x3d: {  	_ =	shalt  }
0x3e: {  	_ =	shalt  }
0x3f: {  	_ =	shalt  }
0x40: {  	_ =	shalt  }
0x41: {  	_ =	shalt  }
0x42: {  	_ =	shalt  }
0x43: {  	_ =	shalt  }
0x44: {  	_ =	shalt  }
0x45: {  	_ =	shalt  }
0x46: {  	_ =	shalt  }
0x47: {  	_ =	shalt  }
0x48: {  	_ =	shalt  }
0x49: {  	_ =	shalt  }
0x4a: {  	_ =	shalt  }
0x4b: {  	_ =	shalt  }
0x4c: {  	_ =	shalt  }
0x4d: {  	_ =	shalt  }
0x4e: {  	_ =	shalt  }
0x4f: {  	_ =	shalt  }
0x50: {  	_ =	shalt  }
0x51: {  	_ =	shalt  }
0x52: {  	_ =	shalt  }
0x53: {  	_ =	shalt  }
0x54: {  	_ =	shalt  }
0x55: {  	_ =	shalt  }
0x56: {  	_ =	shalt  }
0x57: {  	_ =	shalt  }
0x58: {  	_ =	shalt  }
0x59: {  	_ =	shalt  }
0x5a: {  	_ =	shalt  }
0x5b: {  	_ =	shalt  }
0x5c: {  	_ =	shalt  }
0x5d: {  	_ =	shalt  }
0x5e: {  	_ =	shalt  }
0x5f: {  	_ =	shalt  }
0x60: {  	_ =	shalt  }
0x61: {  	_ =	shalt  }
0x62: {  	_ =	shalt  }
0x63: {  	_ =	shalt  }
0x64: {  	_ =	shalt  }
0x65: {  	_ =	shalt  }
0x66: {  	_ =	shalt  }
0x67: {  	_ =	shalt  }
0x68: {  	_ =	shalt  }
0x69: {  	_ =	shalt  }
0x6a: {  	_ =	shalt  }
0x6b: {  	_ =	shalt  }
0x6c: {  	_ =	shalt  }
0x6d: {  	_ =	shalt  }
0x6e: {  	_ =	shalt  }
0x6f: {  	_ =	shalt  }
0x70: {  	_ =	shalt  }
0x71: {  	_ =	shalt  }
0x72: {  	_ =	shalt  }
0x73: {  	_ =	shalt  }
0x74: {  	_ =	shalt  }
0x75: {  	_ =	shalt  }
0x76: {  	_ =	shalt  }
0x77: {  	_ =	shalt  }
0x78: {  	_ =	shalt  }
0x79: {  	_ =	shalt  }
0x7a: {  	_ =	shalt  }
0x7b: {  	_ =	shalt  }
0x7c: {  	_ =	shalt  }
0x7d: {  	_ =	shalt  }
0x7e: {  	_ =	shalt  }
0x7f: {  	_ =	shalt  }
0x80: {  	_ =	shalt  }
0x81: {  	_ =	shalt  }
0x82: {  	_ =	shalt  }
0x83: {  	_ =	shalt  }
0x84: {  	_ =	shalt  }
0x85: {  	_ =	shalt  }
0x86: {  	_ =	shalt  }
0x87: {  	_ =	shalt  }
.Lfunc_end0:
.L_simem_size_0:
called_computation_lowered:
.L_overlay_start_0:
0x88: {  	s2 =	sld [smem:$0x3FD9]  }
0x89: {  	s3 =	sld [smem:$0x3FFE];
	_ =	sdelay $0x1  }
0x8a: {  	s1 =	srdreg.scid  }
0x8b: {  	s0 =	sand.u32 $0x1, s1  }
0x8c: {  	s16 =	sshll.u32 s0, $0xA;
	s2 =	sadd.s32 s3, s2  }
0x8d: {  	s2 =	sadd.s32 s2, s16  }
0x8e: {  	[smem:$0x3FBF] =	sst s2  }
0x8f: {  	_ = 	snop  }
0x90: {  	(tm) =	ssettm $0x1  }
0x91: {  	s17 =	sld [smem:$0x3FFB];
	_ =	sdelay $0x3  }
0x92: {  	_ =	strace s17  }
0x93: {  	s2 =	sld [smem:$0x3FFC];
	_ =	sdelay $0x3  }
0x94: {  	_ =	strace s2  }
0x95: {  	s2 =	sld [smem:$0x3FFD];
	_ =	sdelay $0x3  }
0x96: {  	_ =	strace s2  }
0x97: {  	_ =	strace $0x8FFFFFFF  }
0x98: {  	s18 =	sld [smem:$0x3FDB];
	_ =	sdelay $0x1  }
0x99: {  	s19 =	simm.s32 $_scs_section_size  }
0x9a: {  	s4 =	simm.s32 $_size__tile_overlayer_lowered;
	s5 =	simm.s32 $_tile_overlayer_lowered  }
0x9b: {  	s22 =	simm.s32 $0x1BFF;
	s21 =	sshll.u32 s5, $0x1;
	s2 =	sadd.s32 s19, s18  }
0x9c: {  	s6 =	simm.s32 $0x0;
	s20 =	sshll.u32 s4, $0x1;
	s4 =	sadd.s32 s21, s2  }
0x9d: {  	[timem:s6], [sflag:s22] =	dma.local [hbm:s4], s20  }
0x9e: {  	_ =	swait.ge [sflag:s22], s20  }
0x9f: {  	s3 =	ssub.s32 $0x0, s20;
	[sflag:s22] =	ssyncset.done $0x0  }
0xa0: {  	[sflag:s22] =	ssyncadd.s32 s3;
	_ =	sdelay $0x1  }
0xa1: {  	s23 =	simm.s32 $0x1B8B  }
0xa2: {  	_ =	swait.ge [sflag:s23], $0x1  }
0xa3: {  	[sflag:s23] =	ssyncset.done $0x0  }
0xa4: {  	s25 =	simm.s32 $0x1B8E;
	s24 =	sld [smem:$0x3FFE];
	[sflag:s23] =	ssyncadd.s32 $0xFFFFFFFF  }
0xa5: {  	s26 =	simm.s32 $execute0_lowered;
	[smem:$0x3FD2] =	sst s25  }
0xa6: {  	s4 =	sshll.u32 s26, $0x1;
	_ =	strace $0x80000046;
	[dreg:$0x1] =	wrdreg $0xFFFFFFFF  }
0xa7: {  	s28 =	simm.s32 $_size_execute0_lowered;
	s2 =	sadd.s32 s2, s4;
	[dreg:$0x0] =	wrdreg $0x0  }
0xa8: {  	s4 =	sshll.u32 s28, $0x1;
	[dreg:$0x2] =	wrdreg s2  }
0xa9: {  	[dreg:$0x3] =	wrdreg s4  }
0xaa: {  	[dreg:$0x4] =	wrdreg $0xC0  }
0xab: {  	_ =	task [dreg:s6], $0x5FFFF  }
0xac: {  	[dreg:$0x1] =	wrdreg $0xFFFFFFFF  }
0xad: {  	[dreg:$0x0] =	wrdreg $0x60  }
0xae: {  	[dreg:$0x2] =	wrdreg s24  }
0xaf: {  	[dreg:$0x3] =	wrdreg $0x9  }
0xb0: {  	_ =	task.clear_ibuf [dreg:s6], $0x4FFFF;
	_ =	strace $0x90000046  }
0xb1: {  	s29 =	simm.s32 $0x9;
	_ =	strace $0x80000048  }
0xb2: {  	_ =	swait.ge [sflag:s29], $0x1  }
0xb3: {  	[sflag:s29] =	ssyncadd.s32 $0xFFFFFFFF  }
0xb4: {  	_ =	strace $0x90000048  }
0xb5: {  	_ =	sfence  }
0xb6: {  	s30 =	sld [smem:$0x0];
	_ =	sdelay $0x2  }
0xb7: {  	s31 =	sshll.u32 s1, $0xD;
	s1 =	sshrl.u32 s1, $0x2  }
0xb8: {  	s3 =	sand.u32 $0x4000, s31;
	s1 =	sadd.s32 s1, s30  }
0xb9: {  	s0 =	sor.u32 s3, s0;
	s1 =	sshll.u32 s1, $0x11  }
0xba: {  	s0 =	sor.u32 s1, s0  }
0xbb: {  	s0 =	sadd.s32 $0x8F2B, s0  }
0xbc: {  	[sflag:s0] =	ssyncadd.remote.s32 $0x1  }
0xbd: {  	_ =	sfence.sel $0xFFFF  }
0xbe: {  	[dreg:$0x0] =	wrdreg $0xFFFFFFFF;
	(pc) =	sbr.abs _section_cstart, $3  }
0xbf: {  	[dreg:$0x1] =	wrdreg $0xFFFFFFFF  }
0xc0: {  	_ =	task.clear_ibuf [dreg:s6], $0x2FFFF;
	_ =	strace $0x9FFFFFFF  }
0xc1: {  	(tm) =	ssettm $0x7FFFFFFF  }
tec
execute0_lowered:
.L_overlay_start_1:
0x0: {  	(tag) =	ssettag $0x1  }
0x1: {  	s0 =	srdreg.scid  }
0x2: {  	s30 =	stileid.u32;
	s6 =	rddreg [dreg:$0x0]  }
0x3: {  	s2 =	simm.s32 $0x0;
	s7 =	simm.s32 $0x1;
	s4 =	sand.u32 $0x1, s0  }
0x4: {  	s11 =	simm.f32 $1.000000000e+00;
	s10 =	simm.s32 $0x8000;
	s1 =	sshll.u32 s4, $0x4  }
0x5: {  	s12 =	simm.s32 $0x11000;
	s5 =	sand.u32 $0x7, s30;
	s3 =	sor.u32 s30, s1  }
0x6: {  	[smem:$0x7FF] =	sst s2;
	p1 =	sne.s32 s5, $0x0;
	p0 =	seq.s32 s3, $0x0  }
0x7: {  	s13 =	simm.s32 $0x0;
	_ =	strace $0x80000047;
	p0 =	por !p1, !p0  }
0x8: {  	s9 =	sshll.u32 s5, $0xC;
	s4 =	ssub.s32 $0x2, s4;
	p0 =	por !p0, !p0  }
0x9: {  	[dreg:$0x2] =	wrdreg s11;
	s3 =	sshrl.u32 s3, $0x3;
	s7 =	simm.s32 @!p0 $0x0  }
0xa: {  	s11 =	simm.s32 $0x10000;
	s31 =	sshrl.u32 s4, $0x1;
	s7 =	ssub.s32 s3, s7  }
0xb: {  	s3 =	simm.s32 $0x1;
	s8 =	sshll.u32 s7, $0x10;
	s7 =	sshll.u32 s7, $0xC  }
0xc: {  	s8 =	sor.u32 s9, s8;
	s7 =	sand.u32 $0x1FFFF000, s7;
	s9 =	ssub.s32 s4, s31  }
0xd: {  	s4 =	sshll.u32 s5, $0x5;
	s8 =	sshrl.u32 s8, $0x3;
	s7 =	sadd.s32 s7, s6  }
0xe: {  	s9 =	smax.u32 s9, $0x1;
	s8 =	sadd.s32 s8, s6;
	s5 =	sadd.s32 $0xE00, s7  }
0xf: {  	s6 =	sadd.s32 $0x4E00, s7;
	s7 =	sadd.s32 $0x8E00, s8;
	s8 =	sadd.s32 $0x9E00, s8  }
.LBB2_1:
0x10: {  	[tilespmem:s2], [sflag:$0x1] =	stream.linear.gather [hbm4b:s5+s2], $0x8000, $0x38;
	[tilespmem:$0x12000] =	vst v63  }
0x11: {  	_ =	swait.ge [sflag:s3], $0x8000  }
0x12: {  	[sflag:s3] =	ssyncset.done $0x0  }
0x13: {  	[sflag:s3] =	ssyncadd.s32 $0xFFFF8000  }
0x14: {  	[tilespmem:s10], [sflag:$0x1] =	stream.linear.gather [hbm4b:s6+s2], $0x8000, $0x38;
	[tilespmem:$0x12000] =	vst v63  }
0x15: {  	_ =	swait.ge [sflag:s3], $0x8000  }
0x16: {  	[sflag:s3] =	ssyncset.done $0x0  }
0x17: {  	s14 =	simm.s32 $0x0;
	[sflag:s3] =	ssyncadd.s32 $0xFFFF8000  }
0x18: {  	s15 =	simm.s32 $0x200;
	v0 =	vld [tilespmem:s14+$0x8000]  }
.LBB2_2:
0x19: {  	p0 =	sne.s32 s15, $0x1FE00;
	v1 =	vld [tilespmem:s14+$0x0];
	_ =	sdelay $0x2  }
.Ltmp0:
0x1a: {  	(pc) =	sbr.rel @p0 .LBB2_2-.Ltmp0, $4  }
0x1b: {  	_ = 	snop  }
0x1c: {  	v1 =	vmul.f32 v0, v1  }
0x1d: {  	s16 =	sshra.s32 s15, $0x2  }
0x1e: {  	s15 =	sadd.s32 $0x200, s15;
	v0 =	vld [tilespmem:s16+$0x8000];
	[tilespmem:s14+$0x0] =	vst v1;
	s14 =	smov.u32 s16  }
0x1f: {  	v1 =	vld [tilespmem:s14+$0x0];
	_ =	sdelay $0x4  }
0x20: {  	v0 =	vmul.f32 v0, v1;
	_ =	sdelay $0x1  }
0x21: {  	[tilespmem:s14+$0x0] =	vst v0;
	s14 =	simm.s32 $0x0  }
.LBB2_4:
0x22: {  	s16 =	sadd.s32 s4, s14;
	s18 =	rddreg [dreg:$0x2]  }
0x23: {  	s19 =	simm.f32 $0.0e+00;
	s20 =	simm.f32 $0.0e+00;
	s15 =	sshll.u32 s16, $0x7  }
0x24: {  	p1 =	slt.u32 s16, $0x0;
	s17 =	sand.u32 $0x3FFFFF80, s15;
	s15 =	simm.s32 $0x400  }
0x25: {  	s19 =	simm.s32 @!p1 $0x3F800000;
	p1 =	slt.u32 s16, $0xF;
	v1 =	vld [tilespmem:s17+$0x0];
	s17 =	simm.f32 $0.0e+00  }
0x26: {  	s21 =	simm.f32 $0.0e+00;
	v0 =	vld [tilespmem:s15+$0x380];
	s17 =	simm.s32 @!p1 $0x3F800000;
	p1 =	slt.u32 s16, $0xD  }
0x27: {  	s22 =	simm.f32 $0.0e+00;
	v2 =	vld [tilespmem:s15+$0x300];
	s20 =	simm.s32 @!p1 $0x3F800000;
	p1 =	slt.u32 s16, $0xE  }
0x28: {  	s23 =	simm.f32 $0.0e+00;
	v4 =	vld [tilespmem:s15+$0x280];
	s21 =	simm.s32 @!p1 $0x3F800000;
	p1 =	slt.u32 s16, $0xB  }
0x29: {  	s24 =	simm.f32 $0.0e+00;
	v3 =	vld [tilespmem:s15+$0x200];
	s22 =	simm.s32 @!p1 $0x3F800000;
	p1 =	slt.u32 s16, $0xC  }
0x2a: {  	s25 =	simm.f32 $0.0e+00;
	v5 =	vld [tilespmem:s15+$0x180];
	s23 =	simm.s32 @!p1 $0x3F800000;
	p1 =	slt.u32 s16, $0x9  }
0x2b: {  	s26 =	simm.f32 $0.0e+00;
	v7 =	vld [tilespmem:s15+$0x100];
	s24 =	simm.s32 @!p1 $0x3F800000;
	p1 =	slt.u32 s16, $0xA  }
0x2c: {  	s28 =	simm.f32 $0.0e+00;
	v10 =	vld [tilespmem:s15+$0x80];
	s25 =	simm.s32 @!p1 $0x3F800000;
	p1 =	slt.u32 s16, $0x7  }
0x2d: {  	s29 =	simm.f32 $0.0e+00;
	v11 =	vld [tilespmem:s15+$0x0];
	s26 =	simm.s32 @!p1 $0x3F800000;
	p1 =	slt.u32 s16, $0x8  }
0x2e: {  	v25 =	vimm.f32 $0.0e+00;
	p0 =	sgt.u32 s16, $0x0;
	v13 =	vld [tilespmem:s15+$0xFFFFFF80];
	s28 =	simm.s32 @!p1 $0x3F800000;
	p1 =	slt.u32 s16, $0x5  }
0x2f: {  	v27 =	vimm.f32 $0.0e+00;
	v22 =	vmov s19;
	v15 =	vld [tilespmem:s15+$0xFFFFFF00];
	v6 =	vmov s17;
	s17 =	simm.f32 $0.0e+00;
	s29 =	simm.s32 @!p1 $0x3F800000;
	p1 =	slt.u32 s16, $0x6  }
0x30: {  	v18 =	vld [tilespmem:s15+$0xFFFFFE80];
	v9 =	vmov s20;
	s20 =	simm.f32 $0.0e+00;
	v8 =	vmov s21;
	v14 =	vmov s22;
	s17 =	simm.s32 @!p1 $0x3F800000;
	p1 =	slt.u32 s16, $0x3  }
0x31: {  	v20 =	vld [tilespmem:s15+$0xFFFFFE00];
	s21 =	simm.f32 $0.0e+00;
	v12 =	vmov s23;
	v17 =	vmov s24;
	v16 =	vmov s25;
	s20 =	simm.s32 @!p1 $0x3F800000;
	p1 =	slt.u32 s16, $0x4  }
0x32: {  	v24 =	vld [tilespmem:s15+$0xFFFFFD80];
	s19 =	simm.f32 $0.0e+00;
	v21 =	vmov s26;
	v19 =	vmov s28;
	v26 =	vmov s29;
	s21 =	simm.s32 @!p1 $0x3F800000;
	p1 =	slt.u32 s16, $0x2  }
0x33: {  	s18 =	simm.s32 @!p0 $0x0;
	v30 =	vld [tilespmem:s15+$0xFFFFFC00];
	v23 =	vmov s17;
	s17 =	simm.s32 $0x10;
	v29 =	vmov s20;
	s19 =	simm.s32 @!p1 $0x3F800000;
	v28 =	vmov s21  }
.LBB2_5:
0x34: {  	v32 =	vld [tilespmem:s15+$0xFFFFFD00]  }
0x35: {  	v31 =	vmov s18;
	v34 =	vld [tilespmem:s15+$0xFFFFFC80]  }
0x36: {  	v33 =	vmov s19;
	vm6 =	veq.f32 v10, v1;
	vm5 =	veq.f32 v7, v1  }
0x37: {  	vm9 =	veq.f32 v15, v1;
	vm8 =	veq.f32 v13, v1;
	vm7 =	veq.f32 v11, v1  }
0x38: {  	vm12 =	veq.f32 v30, v1;
	vm11 =	veq.f32 v20, v1;
	vm10 =	veq.f32 v18, v1  }
0x39: {  	vm13 =	vgt.f32 v30, v1;
	v22 =	vnsel vm12, $0x0, v22;
	vm12 =	veq.f32 v24, v1  }
0x3a: {  	vm14 =	veq.f32 v32, v1;
	v22 =	vsel vm13, $0x3F800000, v22;
	vm13 =	veq.f32 v34, v1  }
0x3b: {  	vm15 =	vgt.f32 v34, v1;
	v30 =	vmul.f32 v22, v30;
	v31 =	vnsel vm13, $0x0, v31  }
0x3c: {  	v33 =	vnsel vm14, $0x0, v33;
	vm13 =	vgt.f32 v32, v1;
	v31 =	vsel vm15, $0x3F800000, v31  }
0x3d: {  	v22 =	vadd.f32 v22, v27;
	v25 =	vadd.f32 v30, v25;
	v27 =	vmul.f32 v31, v34  }
0x3e: {  	v29 =	vnsel vm12, $0x0, v29;
	v30 =	vsel vm13, $0x3F800000, v33;
	vm13 =	vgt.f32 v24, v1  }
0x3f: {  	v22 =	vadd.f32 v31, v22;
	v25 =	vadd.f32 v27, v25;
	v27 =	vmul.f32 v30, v32  }
0x40: {  	v28 =	vnsel vm11, $0x0, v28;
	vm12 =	vgt.f32 v20, v1;
	v29 =	vsel vm13, $0x3F800000, v29  }
0x41: {  	v22 =	vadd.f32 v30, v22;
	v24 =	vmul.f32 v29, v24;
	v25 =	vadd.f32 v27, v25  }
0x42: {  	v26 =	vnsel vm10, $0x0, v26;
	v27 =	vsel vm12, $0x3F800000, v28;
	vm12 =	vgt.f32 v18, v1  }
0x43: {  	v22 =	vadd.f32 v29, v22;
	v20 =	vmul.f32 v27, v20;
	v24 =	vadd.f32 v24, v25  }
0x44: {  	v23 =	vnsel vm9, $0x0, v23;
	vm13 =	vgt.f32 v15, v1;
	v25 =	vsel vm12, $0x3F800000, v26  }
0x45: {  	v22 =	vadd.f32 v27, v22;
	v18 =	vmul.f32 v25, v18;
	v20 =	vadd.f32 v20, v24  }
0x46: {  	p0 =	slt.u32 s17, $0xF0;
	s15 =	sadd.s32 $0x800, s15;
	s23 =	sadd.s32 $0xD, s17;
	v21 =	vnsel vm8, $0x0, v21;
	vm14 =	vgt.f32 v13, v1;
	v23 =	vsel vm13, $0x3F800000, v23  }
0x47: {  	s24 =	sadd.s32 $0xE, s17;
	s25 =	sadd.s32 $0xF, s17;
	s26 =	sadd.s32 $0xA, s17;
	v15 =	vmul.f32 v23, v15;
	v18 =	vadd.f32 v18, v20;
	v20 =	vadd.f32 v25, v22  }
0x48: {  	s28 =	sadd.s32 $0xB, s17;
	s29 =	sadd.s32 $0xC, s17;
	s30 =	sadd.s32 $0x7, s17;
	v19 =	vnsel vm7, $0x0, v19;
	v21 =	vsel vm14, $0x3F800000, v21;
	vm15 =	vgt.f32 v11, v1  }
0x49: {  	s31 =	sadd.s32 $0x8, s17;
	s1 =	sadd.s32 $0x9, s17;
	s21 =	sadd.s32 $0x4, s17;
	v13 =	vmul.f32 v21, v13;
	v15 =	vadd.f32 v15, v18;
	v18 =	vadd.f32 v23, v20  }
0x4a: {  	s22 =	sadd.s32 $0x5, s17;
	s19 =	sadd.s32 $0x2, s17;
	s20 =	sadd.s32 $0x3, s17;
	vm9 =	vgt.f32 v10, v1;
	v17 =	vnsel vm6, $0x0, v17;
	v19 =	vsel vm15, $0x3F800000, v19  }
0x4b: {  	s0 =	simm.s32 @!p0 $0x0;
	p2 =	sgt.u32 s25, s16;
	p5 =	sgt.u32 s29, s16;
	v11 =	vmul.f32 v19, v11;
	v13 =	vadd.f32 v13, v15;
	v15 =	vadd.f32 v21, v18  }
0x4c: {  	p1 =	sgt.u32 s23, s16;
	p6 =	sgt.u32 s24, s16;
	p3 =	sgt.u32 s1, s16;
	vm10 =	vgt.f32 v7, v1;
	v16 =	vnsel vm5, $0x0, v16;
	v17 =	vsel vm9, $0x3F800000, v17  }
0x4d: {  	p4 =	sgt.u32 s26, s16;
	s24 =	simm.f32 $0.0e+00;
	s25 =	simm.f32 $0.0e+00;
	v10 =	vmul.f32 v17, v10;
	v11 =	vadd.f32 v11, v13;
	v13 =	vadd.f32 v19, v15  }
0x4e: {  	s26 =	simm.f32 $0.0e+00;
	s0 =	simm.s32 @p0 $0x1;
	p0 =	slt.u32 s17, s16;
	v15 =	vsel vm10, $0x3F800000, v16  }
0x4f: {  	s1 =	simm.s32 @!p3 $0x0;
	s24 =	simm.s32 @!p6 $0x3F800000;
	s25 =	simm.s32 @!p5 $0x3F800000;
	v7 =	vmul.f32 v15, v7;
	v10 =	vadd.f32 v10, v11;
	v11 =	vadd.f32 v17, v13  }
0x50: {  	vm2 =	veq.f32 v4, v1;
	[smem:$0x7FD] =	sst s0;
	s0 =	sadd.s32 $0x6, s17;
	s18 =	simm.s32 @!p0 $0x0;
	vm4 =	veq.f32 v5, v1;
	vm11 =	vgt.f32 v5, v1  }
0x51: {  	s1 =	simm.s32 @p3 $0x1;
	p3 =	sgt.u32 s28, s16;
	s18 =	simm.s32 @p0 $0x1;
	v14 =	vnsel vm4, $0x0, v14;
	v7 =	vadd.f32 v7, v10;
	v10 =	vadd.f32 v15, v11  }
0x52: {  	vm1 =	veq.f32 v2, v1;
	vm3 =	veq.f32 v3, v1;
	p0 =	sgt.u32 s17, s16;
	[smem:$0x7FA] =	sst s1;
	s1 =	simm.f32 $0.0e+00;
	v13 =	vsel vm11, $0x3F800000, v14  }
0x53: {  	v12 =	vnsel vm3, $0x0, v12;
	[smem:$0x7FC] =	sst s18;
	s1 =	simm.s32 @!p0 $0x3F800000;
	p0 =	sgt.u32 s31, s16;
	vm12 =	vgt.f32 v3, v1;
	v10 =	vadd.f32 v13, v10  }
0x54: {  	v9 =	vnsel vm2, $0x0, v9;
	p6 =	sgt.u32 s0, s16;
	s28 =	sld [smem:$0x7FA];
	s23 =	simm.s32 @!p0 $0x0;
	vm13 =	vgt.f32 v4, v1;
	v12 =	vsel vm12, $0x3F800000, v12  }
0x55: {  	s0 =	simm.f32 $0.0e+00;
	s18 =	rddreg [dreg:$0x2];
	s23 =	simm.s32 @p0 $0x1;
	v30 =	vld [tilespmem:s15+$0xFFFFFC00];
	v5 =	vmul.f32 v13, v5;
	v13 =	vmul.f32 v12, v3;
	v12 =	vadd.f32 v12, v10  }
0x56: {  	vm0 =	veq.f32 v0, v1;
	v8 =	vnsel vm1, $0x0, v8;
	s0 =	simm.s32 @!p3 $0x3F800000;
	[smem:$0x7FB] =	sst s23;
	s23 =	simm.f32 $0.0e+00;
	v9 =	vsel vm13, $0x3F800000, v9;
	v24 =	vld [tilespmem:s15+$0xFFFFFD80]  }
0x57: {  	s31 =	sld [smem:$0x7FD];
	vm14 =	vgt.f32 v2, v1;
	p0 =	seq.s32 s28, $0x1;
	s23 =	simm.s32 @!p2 $0x3F800000;
	v18 =	vmul.f32 v9, v4;
	v14 =	vld [tilespmem:s15+$0x380];
	v9 =	vadd.f32 v9, v12  }
0x58: {  	v8 =	vsel vm14, $0x3F800000, v8;
	p2 =	sgt.u32 s30, s16;
	s30 =	sld [smem:$0x7FC];
	v22 =	vmov s1;
	s1 =	simm.f32 $0.0e+00;
	v11 =	vld [tilespmem:s15+$0x300];
	v7 =	vadd.f32 v5, v7  }
0x59: {  	v6 =	vnsel vm0, $0x0, v6;
	vm15 =	vgt.f32 v0, v1;
	s1 =	simm.s32 @!p1 $0x3F800000;
	p1 =	sgt.u32 s22, s16;
	s22 =	simm.f32 $0.0e+00;
	v15 =	vld [tilespmem:s15+$0x280];
	v19 =	vadd.f32 v8, v9  }
0x5a: {  	s29 =	sld [smem:$0x7FB];
	s22 =	simm.s32 @!p0 $0x3F800000;
	p0 =	sgt.u32 s21, s16;
	v17 =	vsel vm15, $0x3F800000, v6;
	v6 =	vmov s23;
	v3 =	vld [tilespmem:s15+$0x200];
	v13 =	vadd.f32 v13, v7  }
0x5b: {  	s21 =	simm.f32 $0.0e+00;
	s23 =	simm.f32 $0.0e+00;
	v20 =	vmul.f32 v17, v0;
	v5 =	vld [tilespmem:s15+$0x180];
	v27 =	vadd.f32 v17, v19;
	v17 =	vmov s22;
	s22 =	simm.f32 $0.0e+00  }
0x5c: {  	s23 =	simm.s32 @!p6 $0x3F800000;
	v7 =	vld [tilespmem:s15+$0x100];
	v16 =	vadd.f32 v18, v13;
	v12 =	vmul.f32 v8, v2;
	s22 =	simm.s32 @!p0 $0x3F800000;
	p0 =	seq.s32 s30, $0x1  }
0x5d: {  	v10 =	vld [tilespmem:s15+$0x80];
	v9 =	vmov s1;
	s1 =	simm.f32 $0.0e+00;
	s18 =	simm.s32 @!p0 $0x0;
	p0 =	seq.s32 s31, $0x1  }
.Ltmp1:
0x5e: {  	v4 =	vmov v15;
	v15 =	vld [tilespmem:s15+$0xFFFFFF00];
	v16 =	vadd.f32 v12, v16;
	s1 =	simm.s32 @!p2 $0x3F800000;
	p2 =	seq.s32 s29, $0x1;
	(pc) =	sbr.rel @p0 .LBB2_5-.Ltmp1, $4  }
0x5f: {  	v23 =	vmov s23;
	v0 =	vmovc v14;
	v14 =	vmov s0;
	v2 =	vmov v11;
	v11 =	vld [tilespmem:s15+$0x0];
	s21 =	simm.s32 @!p2 $0x3F800000;
	p2 =	sgt.u32 s20, s16;
	s20 =	simm.f32 $0.0e+00  }
0x60: {  	s26 =	simm.s32 @!p4 $0x3F800000;
	s0 =	simm.f32 $0.0e+00;
	v13 =	vld [tilespmem:s15+$0xFFFFFF80];
	v8 =	vmov s24;
	v12 =	vmov s25;
	v25 =	vadd.f32 v20, v16;
	s20 =	simm.s32 @!p1 $0x3F800000  }
0x61: {  	v18 =	vld [tilespmem:s15+$0xFFFFFE80];
	v16 =	vmov s26;
	v21 =	vmov s1;
	p1 =	sgt.u32 s19, s16;
	s0 =	simm.s32 @!p2 $0x3F800000;
	v19 =	vmov s21;
	s19 =	simm.f32 $0.0e+00  }
0x62: {  	s17 =	sadd.s32 $0x10, s17;
	v20 =	vld [tilespmem:s15+$0xFFFFFE00];
	s19 =	simm.s32 @!p1 $0x3F800000;
	v29 =	vmov s0;
	v28 =	vmov s22;
	v26 =	vmov s20  }
0x63: {  	v31 =	vmov s18;
	v32 =	vmov s19;
	vm0 =	veq.f32 v0, v1  }
0x64: {  	v33 =	vld [tilespmem:s15+$0xFFFFFC80];
	vm3 =	veq.f32 v3, v1;
	vm2 =	veq.f32 v4, v1;
	vm1 =	veq.f32 v2, v1  }
0x65: {  	vm6 =	veq.f32 v10, v1;
	vm5 =	veq.f32 v7, v1;
	vm4 =	veq.f32 v5, v1  }
0x66: {  	v34 =	vld [tilespmem:s15+$0xFFFFFD00];
	vm9 =	veq.f32 v15, v1;
	vm10 =	veq.f32 v30, v1;
	vm13 =	vgt.f32 v30, v1  }
0x67: {  	vm7 =	veq.f32 v11, v1;
	v22 =	vnsel vm10, $0x0, v22;
	vm10 =	veq.f32 v24, v1  }
0x68: {  	v23 =	vnsel vm9, $0x0, v23;
	v22 =	vsel vm13, $0x3F800000, v22;
	v29 =	vnsel vm10, $0x0, v29  }
0x69: {  	vm12 =	veq.f32 v18, v1;
	v61 =	vmul.f32 v22, v30;
	vm13 =	veq.f32 v33, v1  }
0x6a: {  	v22 =	vadd.f32 v22, v27;
	vm14 =	vgt.f32 v33, v1;
	v31 =	vnsel vm13, $0x0, v31  }
0x6b: {  	v25 =	vadd.f32 v61, v25;
	vm13 =	veq.f32 v34, v1;
	v31 =	vsel vm14, $0x3F800000, v31  }
0x6c: {  	vm14 =	vgt.f32 v34, v1;
	v32 =	vnsel vm13, $0x0, v32;
	v62 =	vmul.f32 v31, v33  }
0x6d: {  	vm11 =	veq.f32 v20, v1;
	v63 =	vsel vm14, $0x3F800000, v32;
	v22 =	vadd.f32 v31, v22  }
0x6e: {  	vm13 =	vgt.f32 v24, v1;
	v33 =	vmul.f32 v63, v34;
	v25 =	vadd.f32 v62, v25  }
0x6f: {  	v28 =	vnsel vm11, $0x0, v28;
	v29 =	vsel vm13, $0x3F800000, v29;
	v22 =	vadd.f32 v63, v22  }
0x70: {  	vm14 =	vgt.f32 v20, v1;
	v34 =	vmul.f32 v29, v24;
	v25 =	vadd.f32 v33, v25  }
0x71: {  	vm15 =	vgt.f32 v18, v1;
	v35 =	vsel vm14, $0x3F800000, v28;
	v22 =	vadd.f32 v29, v22  }
0x72: {  	v26 =	vnsel vm12, $0x0, v26;
	v36 =	vmul.f32 v35, v20;
	v24 =	vadd.f32 v34, v25  }
0x73: {  	vm8 =	veq.f32 v13, v1;
	v37 =	vsel vm15, $0x3F800000, v26;
	v22 =	vadd.f32 v35, v22  }
0x74: {  	v38 =	vmul.f32 v37, v18;
	vm13 =	vgt.f32 v15, v1;
	v20 =	vadd.f32 v36, v24  }
0x75: {  	v21 =	vnsel vm8, $0x0, v21;
	v23 =	vsel vm13, $0x3F800000, v23;
	v40 =	vadd.f32 v37, v22  }
0x76: {  	vm14 =	vgt.f32 v13, v1;
	v39 =	vmul.f32 v23, v15;
	v18 =	vadd.f32 v38, v20  }
0x77: {  	v19 =	vnsel vm7, $0x0, v19;
	v21 =	vsel vm14, $0x3F800000, v21;
	v42 =	vadd.f32 v23, v40  }
0x78: {  	vm15 =	vgt.f32 v11, v1;
	v41 =	vmul.f32 v21, v13;
	v15 =	vadd.f32 v39, v18  }
0x79: {  	vm9 =	vgt.f32 v10, v1;
	v19 =	vsel vm15, $0x3F800000, v19;
	v44 =	vadd.f32 v21, v42  }
0x7a: {  	v17 =	vnsel vm6, $0x0, v17;
	v43 =	vmul.f32 v19, v11;
	v13 =	vadd.f32 v41, v15  }
0x7b: {  	v16 =	vnsel vm5, $0x0, v16;
	v17 =	vsel vm9, $0x3F800000, v17;
	v46 =	vadd.f32 v19, v44  }
0x7c: {  	vm10 =	vgt.f32 v7, v1;
	v45 =	vmul.f32 v17, v10;
	v11 =	vadd.f32 v43, v13  }
0x7d: {  	v14 =	vnsel vm4, $0x0, v14;
	v47 =	vsel vm10, $0x3F800000, v16;
	v49 =	vadd.f32 v17, v46  }
0x7e: {  	v48 =	vmul.f32 v47, v7;
	vm11 =	vgt.f32 v5, v1;
	v10 =	vadd.f32 v45, v11  }
0x7f: {  	v12 =	vnsel vm3, $0x0, v12;
	v50 =	vsel vm11, $0x3F800000, v14;
	v52 =	vadd.f32 v47, v49  }
0x80: {  	vm12 =	vgt.f32 v3, v1;
	v51 =	vmul.f32 v50, v5;
	v7 =	vadd.f32 v48, v10  }
0x81: {  	v9 =	vnsel vm2, $0x0, v9;
	v53 =	vsel vm12, $0x3F800000, v12;
	v55 =	vadd.f32 v50, v52  }
0x82: {  	v54 =	vmul.f32 v53, v3;
	vm13 =	vgt.f32 v4, v1;
	v5 =	vadd.f32 v51, v7  }
0x83: {  	v8 =	vnsel vm1, $0x0, v8;
	v9 =	vsel vm13, $0x3F800000, v9;
	v57 =	vadd.f32 v53, v55  }
0x84: {  	vm14 =	vgt.f32 v2, v1;
	v56 =	vmul.f32 v9, v4;
	v3 =	vadd.f32 v54, v5  }
0x85: {  	v59 =	vnsel vm0, $0x0, v6;
	v58 =	vsel vm14, $0x3F800000, v8;
	v61 =	vadd.f32 v9, v57  }
0x86: {  	s0 =	sshll.u32 s14, $0x7;
	s14 =	sadd.s32 $0x1, s14;
	vm15 =	vgt.f32 v0, v1;
	v60 =	vmul.f32 v58, v2;
	v3 =	vadd.f32 v56, v3  }
0x87: {  	p0 =	sne.s32 s14, $0x20;
	v1 =	vsel vm15, $0x3F800000, v59;
	v63 =	vadd.f32 v58, v61  }
.Ltmp2:
0x88: {  	v62 =	vmul.f32 v1, v0;
	v2 =	vadd.f32 v60, v3;
	(pc) =	sbr.rel @p0 .LBB2_4-.Ltmp2, $4  }
0x89: {  	v1 =	vadd.f32 v1, v63  }
0x8a: {  	v0 =	vadd.f32 v62, v2  }
0x8b: {  	[tilespmem:s0+$0x11000] =	vst v1  }
0x8c: {  	[tilespmem:s0+$0x10000] =	vst v0  }
0x8d: {  	[hbm4b:s7+s2] =	stream.linear.scatter [tilespmem:s11], [sflag:$0x1], $0x1000, $0x38;
	[tilespmem:$0x12000] =	vst v63  }
0x8e: {  	s13 =	sadd.s32 $0x1, s13;
	_ =	swait.ge [sflag:s3], $0x1000  }
0x8f: {  	p0 =	sne.s32 s13, s9;
	[sflag:s3] =	ssyncset.done $0x0  }
.Ltmp3:
0x90: {  	[sflag:s3] =	ssyncadd.s32 $0xFFFFF000;
	(pc) =	sbr.rel @p0 .LBB2_1-.Ltmp3, $4  }
0x91: {  	[hbm4b:s8+s2] =	stream.linear.scatter [tilespmem:s12], [sflag:$0x1], $0x1000, $0x38;
	[tilespmem:$0x12000] =	vst v63  }
0x92: {  	_ =	swait.ge [sflag:s3], $0x1000  }
0x93: {  	[sflag:s3] =	ssyncset.done $0x0  }
0x94: {  	[sflag:s3] =	ssyncadd.s32 $0xFFFFF000  }
0x95: {  	_ =	sfence.sel $0x180000  }
0x96: {  	[bflag:$0x0] =	sbarrier.arrive $0xFFFF  }
0x97: {  	_ =	strace $0x90000047  }
0x98: {  	s0 =	stileid.u32;
	[bflag:$0x2] =	sbarrier.arrive $0xFFFF  }
0x99: {  	p0 =	sne.s32 s0, $0x0;
	s0 =	rddreg [dreg:$0x1]  }
0x9a: {  	s0 =	sadd.s32 @!p0 $0x100000, s0  }
0x9b: {  	[sflag:s0] =	ssyncadd.tile.s32 @!p0 $0x1;
	_ =	shalt  }
.Lfunc_end2:
_tile_overlayer_lowered:
.L_overlay_start_2:
0x9c: {  	(tag) =	ssettag $0x2  }
0x9d: {  	s0 =	rddreg [dreg:$0x0];
	s2 =	stileid.u32  }
0x9e: {  	s1 =	rddreg [dreg:$0x1];
	p0 =	sne.s32 s2, $0x0  }
0x9f: {  	s3 =	rddreg [dreg:$0x2];
	[bflag:$0x3] =	sbarrier.arrive $0xFFFF;
	s2 =	simm.s32 @!p0 $0x1C01  }
0xa0: {  	[timem:s3], [sflag:s2] =	dma.local @!p0 [hbm:s0], s1  }
0xa1: {  	s0 =	simm.s32 @!p0 $0x1  }
0xa2: {  	_ =	swait.ge @!p0 [sflag:s0], s1  }
0xa3: {  	s1 =	ssub.s32 @!p0 $0x0, s1;
	[sflag:s0] =	ssyncset.done @!p0 $0x0  }
0xa4: {  	[sflag:s0] =	ssyncadd.s32 @!p0 s1  }
0xa5: {  	[bflag:$0x3] =	sbarrier.arrive $0xFFFF  }
0xa6: {  	_ =	shalt  }

</sc_bundles>
